<compile_context>
chip_gen: v7x
topology: tpu7x:2x2x1
jax: 0.10.2.dev20260603
libtpu: 0.0.44.dev20260713+nightly
codegen_flags: <defaults>
</compile_context>

<pallas_src>
import functools

import jax
import jax.numpy as jnp
from jax import lax
from jax.experimental import pallas as pl
from jax.experimental.pallas import tpu as pltpu
from jax.experimental.pallas import tpu_sc as plsc

N_NODES = 10000
N_EDGES = 320000
D_FEAT = 128
D_EDGE = 16
D_GLOBAL = 128
D_OUT = D_EDGE + 2 * D_FEAT + D_GLOBAL
ROW_R = D_EDGE
ROW_S = D_EDGE + D_FEAT
ROW_G = D_EDGE + 2 * D_FEAT
D_BUF = ROW_G

NUM_CORES = 2
NUM_SUBCORES = 16
NW = NUM_CORES * NUM_SUBCORES
CHUNK = 128
N_CHUNKS = N_EDGES // CHUNK
L = 16

_mesh = plsc.VectorSubcoreMesh(core_axis_name="c", subcore_axis_name="s")


@functools.partial(
    pl.kernel,
    out_type=jax.ShapeDtypeStruct((D_OUT, N_EDGES), jnp.float32),
    mesh=_mesh,
    compiler_params=pltpu.CompilerParams(needs_layout_passes=False),
    scratch_types=[
        [pltpu.VMEM((CHUNK,), jnp.int32)] * 2,
        [pltpu.VMEM((CHUNK,), jnp.int32)] * 2,
        pltpu.VMEM((CHUNK, D_FEAT), jnp.float32),
        pltpu.VMEM((CHUNK, D_FEAT), jnp.float32),
        [pltpu.VMEM((D_BUF, CHUNK), jnp.float32)] * 2,
        pltpu.VMEM((D_GLOBAL, CHUNK), jnp.float32),
        pltpu.VMEM((D_GLOBAL,), jnp.float32),
        pltpu.SemaphoreType.DMA,
        pltpu.SemaphoreType.DMA,
        [pltpu.SemaphoreType.DMA] * 2,
        [pltpu.SemaphoreType.DMA] * 2,
    ],
)
def _edge_block_sc(
    edges_t_hbm, nodes_hbm, glob_hbm, recv_hbm, send_hbm, out_hbm,
    idx_r, idx_s, stage_r, stage_s, buf, glob_v, grow_v,
    isem, gsem, esem, wsem,
):
    wid = lax.axis_index("s") * NUM_CORES + lax.axis_index("c")
    nk = jnp.where(wid < N_CHUNKS % NW, N_CHUNKS // NW + 1, N_CHUNKS // NW)

    pltpu.sync_copy(glob_hbm, grow_v)

    def fill_glob(c, carry):
        v = plsc.load_gather(grow_v, [jnp.full((L,), c, jnp.int32)])
        for b in range(CHUNK // L):
            glob_v[c, pl.ds(b * L, L)] = v
        return carry

    lax.fori_loop(0, D_GLOBAL, fill_glob, 0)

    iota = lax.iota(jnp.int32, L)

    def idx_descs(sl, j):
        ebase = (wid + NW * j) * CHUNK
        return [
            pltpu.make_async_copy(recv_hbm.at[pl.ds(ebase, CHUNK)], idx_r[sl], isem),
            pltpu.make_async_copy(send_hbm.at[pl.ds(ebase, CHUNK)], idx_s[sl], isem),
        ]

    def gather_descs(sl):
        return [
            pltpu.make_async_copy(nodes_hbm.at[idx_r[sl]], stage_r, gsem),
            pltpu.make_async_copy(nodes_hbm.at[idx_s[sl]], stage_s, gsem),
        ]

    def edge_desc(sl, j):
        ebase = (wid + NW * j) * CHUNK
        return pltpu.make_async_copy(
            edges_t_hbm.at[:, pl.ds(ebase, CHUNK)], buf[sl].at[pl.ds(0, D_EDGE), :],
            esem[sl])

    def write_descs(sl, j):
        ebase = (wid + NW * j) * CHUNK
        cols = pl.ds(ebase, CHUNK)
        return [
            pltpu.make_async_copy(buf[sl], out_hbm.at[pl.ds(0, D_BUF), cols], wsem[sl]),
            pltpu.make_async_copy(glob_v, out_hbm.at[pl.ds(ROW_G, D_GLOBAL), cols], wsem[sl]),
        ]

    def transpose_into(sl):
        def trow(e, carry):
            col = jnp.full((L,), e, jnp.int32)
            for c0 in range(0, D_FEAT, L):
                vr = stage_r[e, pl.ds(c0, L)]
                plsc.store_scatter(buf[sl], [ROW_R + c0 + iota, col], vr)
                vs = stage_s[e, pl.ds(c0, L)]
                plsc.store_scatter(buf[sl], [ROW_S + c0 + iota, col], vs)
            return carry

        lax.fori_loop(0, CHUNK, trow, 0)

    def do_chunk(sl, j):
        osl = 1 - sl

        @pl.when(j >= 2)
        def _():
            for d in write_descs(sl, j):
                d.wait()

        @pl.when(j + 1 < nk)
        def _():
            for d in idx_descs(osl, j + 1):
                d.start()

        edge_desc(sl, j).start()
        for d in gather_descs(sl):
            d.wait()
        transpose_into(sl)

        @pl.when(j + 1 < nk)
        def _():
            for d in idx_descs(osl, j + 1):
                d.wait()
            for d in gather_descs(osl):
                d.start()

        edge_desc(sl, j).wait()
        for d in write_descs(sl, j):
            d.start()

    for d in idx_descs(0, jnp.int32(0)):
        d.start()
    for d in idx_descs(0, jnp.int32(0)):
        d.wait()
    for d in gather_descs(0):
        d.start()

    def body(j, carry):
        @pl.when(j % 2 == 0)
        def _():
            do_chunk(0, j)

        @pl.when(j % 2 == 1)
        def _():
            do_chunk(1, j)

        return carry

    lax.fori_loop(0, nk, body, 0)

    for sl in range(2):
        for d in write_descs(sl, jnp.int32(0)):
            d.wait()


def kernel(edges_data, nodes_data, global_data, receivers, senders):
    out_t = _edge_block_sc(
        edges_data.T,
        nodes_data,
        global_data,
        receivers.astype(jnp.int32),
        senders.astype(jnp.int32),
    )
    return out_t.T

# --- scband reference (transcript-rebuilt; emitter-appended) ---
"""Pipeline reference for scband-edge-block-19250043420736 (READ-ONLY COPY).

The authoritative reference and input builder live on the scoring server;
editing this copy changes nothing except your own understanding.
"""

import jax, jax.numpy as jnp
import numpy as np

N_NODES = 10000
N_EDGES = 320000
D_FEAT = 128
D_EDGE = 16
D_GLOBAL = 128


def setup_inputs(seed: int = 0) -> dict:
    key = jax.random.key(seed)
    k1, k2, k3, k4, k5 = jax.random.split(key, 5)
    edges_data = jax.random.normal(k1, (N_EDGES, D_EDGE), dtype=jnp.float32)
    nodes_data = jax.random.normal(k2, (N_NODES, D_FEAT), dtype=jnp.float32)
    global_data = jax.random.normal(k3, (D_GLOBAL,), dtype=jnp.float32)
    receivers = jax.random.randint(k4, (N_EDGES,), 0, N_NODES, dtype=jnp.int64 if jax.config.jax_enable_x64 else jnp.int32)
    senders = jax.random.randint(k5, (N_EDGES,), 0, N_NODES, dtype=jnp.int64 if jax.config.jax_enable_x64 else jnp.int32)
    return {
        "edges_data": edges_data,
        "nodes_data": nodes_data,
        "global_data": global_data,
        "receivers": receivers,
        "senders": senders,
    }


def reference(edges_data, nodes_data, global_data, receivers, senders):
    # EdgeBlock with independent=False, updater=None:
    # per edge e: concat([edges_data[e], nodes_data[receivers[e]],
    #                     nodes_data[senders[e]], global_data])
    # Vectorized: gathers (SparseCore-friendly) + broadcast of global vector.
    recv_feats = jnp.take(nodes_data, receivers, axis=0)
    send_feats = jnp.take(nodes_data, senders, axis=0)
    g = jnp.broadcast_to(global_data[None, :], (edges_data.shape[0], global_data.shape[0]))
    updater_input = jnp.concatenate([edges_data, recv_feats, send_feats, g], axis=1)
    return updater_input

if __name__ == "__main__":
    import jax
    _d = setup_inputs()
    print(jax.jit(kernel)(*tuple(_d.values())))

</pallas_src>

<mosaic_0001>
#map = affine_map<(d0, d1) -> (0, 0)>
#map1 = affine_map<(d0, d1) -> (0)>
module attributes {stable_mosaic.version = 14 : i64} {
  func.func @_edge_block_sc(%arg0: i32, %arg1: i32, %arg2: memref<16x320000xf32, #tpu.memory_space<hbm>>, %arg3: memref<10000x128xf32, #tpu.memory_space<hbm>>, %arg4: memref<128xf32, #tpu.memory_space<hbm>>, %arg5: memref<320000xi32, #tpu.memory_space<hbm>>, %arg6: memref<320000xi32, #tpu.memory_space<hbm>>, %arg7: memref<400x320000xf32, #tpu.memory_space<hbm>>, %arg8: memref<128xi32, #tpu.memory_space<vmem>>, %arg9: memref<128xi32, #tpu.memory_space<vmem>>, %arg10: memref<128xi32, #tpu.memory_space<vmem>>, %arg11: memref<128xi32, #tpu.memory_space<vmem>>, %arg12: memref<128x128xf32, #tpu.memory_space<vmem>>, %arg13: memref<128x128xf32, #tpu.memory_space<vmem>>, %arg14: memref<272x128xf32, #tpu.memory_space<vmem>>, %arg15: memref<272x128xf32, #tpu.memory_space<vmem>>, %arg16: memref<128x128xf32, #tpu.memory_space<vmem>>, %arg17: memref<128xf32, #tpu.memory_space<vmem>>, %arg18: memref<!tpu.dma_semaphore, #tpu.memory_space<semaphore_mem>>, %arg19: memref<!tpu.dma_semaphore, #tpu.memory_space<semaphore_mem>>, %arg20: memref<!tpu.dma_semaphore, #tpu.memory_space<semaphore_mem>>, %arg21: memref<!tpu.dma_semaphore, #tpu.memory_space<semaphore_mem>>, %arg22: memref<!tpu.dma_semaphore, #tpu.memory_space<semaphore_mem>>, %arg23: memref<!tpu.dma_semaphore, #tpu.memory_space<semaphore_mem>>) attributes {dimension_semantics = [#tpu.dimension_semantics<core_parallel>, #tpu.dimension_semantics<subcore_parallel>], iteration_bounds = array<i64: 2, 16>, scalar_prefetch = 0 : i64, scratch_operands = 16 : i64, tpu.core_type = #tpu.core_type<sc_vector_subcore>, window_params = [{transform_indices = #map}, {transform_indices = #map}, {transform_indices = #map1}, {transform_indices = #map1}, {transform_indices = #map1}, {transform_indices = #map}]} {
    %mul3A = arith.constant 2 : i32
    %mul3A_0 = arith.muli %arg1, %mul3A : i32
    %add3A = arith.addi %mul3A_0, %arg0 : i32
    %lt3A = arith.constant 4 : i32
    %lt3A_1 = arith.cmpi slt, %add3A, %lt3A : i32
    %jit3A = arith.constant 79 : i32
    %jit3A_2 = arith.constant 78 : i32
    %select_n3A = arith.select %lt3A_1, %jit3A, %jit3A_2 : i32
    "tpu.region"() ({
      %run_scoped3A = tpu.sem_alloc : memref<!tpu.dma_semaphore, #tpu.memory_space<semaphore_mem>>
      tpu.enqueue_dma source(%arg4 : memref<128xf32, #tpu.memory_space<hbm>>) target(%arg17 : memref<128xf32, #tpu.memory_space<vmem>>) target_semaphore(%run_scoped3A : memref<!tpu.dma_semaphore, #tpu.memory_space<semaphore_mem>>)
      tpu.wait_dma2 semaphore(%run_scoped3A : memref<!tpu.dma_semaphore, #tpu.memory_space<semaphore_mem>>) src(%arg4 : memref<128xf32, #tpu.memory_space<hbm>>) dst(%arg17 : memref<128xf32, #tpu.memory_space<vmem>>)
      tpu.yield
    }) : () -> ()
    %scan3A = arith.constant 0 : i32
    %scan3A_3 = arith.constant 0 : i32
    %scan3A_4 = arith.constant 128 : i32
    %scan3A_5 = arith.addi %scan3A_3, %scan3A_4 : i32
    %scan3A_6 = arith.constant 1 : i32
    scf.for %scan3A_69 = %scan3A_3 to %scan3A_5 step %scan3A_6  : i32 {
      %broadcast_in_dim3A = vector.broadcast %scan3A_69 : i32 to vector<16xi32>
      %gather3A = tpu.vector_load_idx %arg17[%broadcast_in_dim3A] : memref<128xf32, #tpu.memory_space<vmem>>[vector<16xi32>], vector<16xf32>,
      %swap3A = arith.index_cast %scan3A_69 : i32 to index
      %swap3A_70 = arith.constant 0 : index
      %swap3A_71 = tpu.vector_load %arg16[%swap3A, %swap3A_70] {strides = array<i32>} : memref<128x128xf32, #tpu.memory_space<vmem>>, vector<16xf32>,
      tpu.vector_store %arg16[%swap3A, %swap3A_70], %gather3A {strides = array<i32>} : memref<128x128xf32, #tpu.memory_space<vmem>>, vector<16xf32>,
      %swap3A_72 = arith.index_cast %scan3A_69 : i32 to index
      %swap3A_73 = arith.constant 16 : index
      %swap3A_74 = tpu.vector_load %arg16[%swap3A_72, %swap3A_73] {strides = array<i32>} : memref<128x128xf32, #tpu.memory_space<vmem>>, vector<16xf32>,
      tpu.vector_store %arg16[%swap3A_72, %swap3A_73], %gather3A {strides = array<i32>} : memref<128x128xf32, #tpu.memory_space<vmem>>, vector<16xf32>,
      %swap3A_75 = arith.index_cast %scan3A_69 : i32 to index
      %swap3A_76 = arith.constant 32 : index
      %swap3A_77 = tpu.vector_load %arg16[%swap3A_75, %swap3A_76] {strides = array<i32>} : memref<128x128xf32, #tpu.memory_space<vmem>>, vector<16xf32>,
      tpu.vector_store %arg16[%swap3A_75, %swap3A_76], %gather3A {strides = array<i32>} : memref<128x128xf32, #tpu.memory_space<vmem>>, vector<16xf32>,
      %swap3A_78 = arith.index_cast %scan3A_69 : i32 to index
      %swap3A_79 = arith.constant 48 : index
      %swap3A_80 = tpu.vector_load %arg16[%swap3A_78, %swap3A_79] {strides = array<i32>} : memref<128x128xf32, #tpu.memory_space<vmem>>, vector<16xf32>,
      tpu.vector_store %arg16[%swap3A_78, %swap3A_79], %gather3A {strides = array<i32>} : memref<128x128xf32, #tpu.memory_space<vmem>>, vector<16xf32>,
      %swap3A_81 = arith.index_cast %scan3A_69 : i32 to index
      %swap3A_82 = arith.constant 64 : index
      %swap3A_83 = tpu.vector_load %arg16[%swap3A_81, %swap3A_82] {strides = array<i32>} : memref<128x128xf32, #tpu.memory_space<vmem>>, vector<16xf32>,
      tpu.vector_store %arg16[%swap3A_81, %swap3A_82], %gather3A {strides = array<i32>} : memref<128x128xf32, #tpu.memory_space<vmem>>, vector<16xf32>,
      %swap3A_84 = arith.index_cast %scan3A_69 : i32 to index
      %swap3A_85 = arith.constant 80 : index
      %swap3A_86 = tpu.vector_load %arg16[%swap3A_84, %swap3A_85] {strides = array<i32>} : memref<128x128xf32, #tpu.memory_space<vmem>>, vector<16xf32>,
      tpu.vector_store %arg16[%swap3A_84, %swap3A_85], %gather3A {strides = array<i32>} : memref<128x128xf32, #tpu.memory_space<vmem>>, vector<16xf32>,
      %swap3A_87 = arith.index_cast %scan3A_69 : i32 to index
      %swap3A_88 = arith.constant 96 : index
      %swap3A_89 = tpu.vector_load %arg16[%swap3A_87, %swap3A_88] {strides = array<i32>} : memref<128x128xf32, #tpu.memory_space<vmem>>, vector<16xf32>,
      tpu.vector_store %arg16[%swap3A_87, %swap3A_88], %gather3A {strides = array<i32>} : memref<128x128xf32, #tpu.memory_space<vmem>>, vector<16xf32>,
      %swap3A_90 = arith.index_cast %scan3A_69 : i32 to index
      %swap3A_91 = arith.constant 112 : index
      %swap3A_92 = tpu.vector_load %arg16[%swap3A_90, %swap3A_91] {strides = array<i32>} : memref<128x128xf32, #tpu.memory_space<vmem>>, vector<16xf32>,
      tpu.vector_store %arg16[%swap3A_90, %swap3A_91], %gather3A {strides = array<i32>} : memref<128x128xf32, #tpu.memory_space<vmem>>, vector<16xf32>,
    }
    %scan3A_7 = arith.constant 128 : i32
    %iota3A = tpu.iota {dimensions = array<i32: 0>} : vector<16xi32>
    %mul3A_8 = arith.constant 32 : i32
    %mul3A_9 = arith.constant 0 : i32
    %mul3A_10 = arith.muli %mul3A_8, %mul3A_9 : i32
    %add3A_11 = arith.addi %add3A, %mul3A_10 : i32
    %mul3A_12 = arith.constant 128 : i32
    %mul3A_13 = arith.muli %add3A_11, %mul3A_12 : i32
    %dma_start3A = tpu.memref_slice %arg5[%mul3A_13] : memref<320000xi32, #tpu.memory_space<hbm>> -> memref<128xi32, #tpu.memory_space<hbm>>
    %dma_start3A_14 = tpu.memref_slice %arg5[%mul3A_13] : memref<320000xi32, #tpu.memory_space<hbm>> -> memref<128xi32, #tpu.memory_space<hbm>>
    tpu.enqueue_dma source(%dma_start3A_14 : memref<128xi32, #tpu.memory_space<hbm>>) target(%arg8 : memref<128xi32, #tpu.memory_space<vmem>>) target_semaphore(%arg18 : memref<!tpu.dma_semaphore, #tpu.memory_space<semaphore_mem>>)
    %dma_start3A_15 = tpu.memref_slice %arg6[%mul3A_13] : memref<320000xi32, #tpu.memory_space<hbm>> -> memref<128xi32, #tpu.memory_space<hbm>>
    %dma_start3A_16 = tpu.memref_slice %arg6[%mul3A_13] : memref<320000xi32, #tpu.memory_space<hbm>> -> memref<128xi32, #tpu.memory_space<hbm>>
    tpu.enqueue_dma source(%dma_start3A_16 : memref<128xi32, #tpu.memory_space<hbm>>) target(%arg10 : memref<128xi32, #tpu.memory_space<vmem>>) target_semaphore(%arg18 : memref<!tpu.dma_semaphore, #tpu.memory_space<semaphore_mem>>)
    %mul3A_17 = arith.constant 32 : i32
    %mul3A_18 = arith.constant 0 : i32
    %mul3A_19 = arith.muli %mul3A_17, %mul3A_18 : i32
    %add3A_20 = arith.addi %add3A, %mul3A_19 : i32
    %mul3A_21 = arith.constant 128 : i32
    %mul3A_22 = arith.muli %add3A_20, %mul3A_21 : i32
    %dma_wait3A = tpu.memref_slice %arg5[%mul3A_22] : memref<320000xi32, #tpu.memory_space<hbm>> -> memref<128xi32, #tpu.memory_space<hbm>>
    %dma_wait3A_23 = tpu.memref_slice %arg5[%mul3A_22] : memref<320000xi32, #tpu.memory_space<hbm>> -> memref<128xi32, #tpu.memory_space<hbm>>
    tpu.wait_dma2 semaphore(%arg18 : memref<!tpu.dma_semaphore, #tpu.memory_space<semaphore_mem>>) src(%dma_wait3A_23 : memref<128xi32, #tpu.memory_space<hbm>>) dst(%arg8 : memref<128xi32, #tpu.memory_space<vmem>>)
    %dma_wait3A_24 = tpu.memref_slice %arg6[%mul3A_22] : memref<320000xi32, #tpu.memory_space<hbm>> -> memref<128xi32, #tpu.memory_space<hbm>>
    %dma_wait3A_25 = tpu.memref_slice %arg6[%mul3A_22] : memref<320000xi32, #tpu.memory_space<hbm>> -> memref<128xi32, #tpu.memory_space<hbm>>
    tpu.wait_dma2 semaphore(%arg18 : memref<!tpu.dma_semaphore, #tpu.memory_space<semaphore_mem>>) src(%dma_wait3A_25 : memref<128xi32, #tpu.memory_space<hbm>>) dst(%arg10 : memref<128xi32, #tpu.memory_space<vmem>>)
    %dma_start3A_26 = arith.constant 0 : i32
    %dma_start3A_27 = arith.constant 0 : i32
    %dma_start3A_28 = tpu.memref_slice %arg3[%dma_start3A_26, %dma_start3A_27] : memref<10000x128xf32, #tpu.memory_space<hbm>> -> memref<10000x128xf32, #tpu.memory_space<hbm>>
    tpu.enqueue_indirect_dma source(%dma_start3A_28 : memref<10000x128xf32, #tpu.memory_space<hbm>>) target(%arg12 : memref<128x128xf32, #tpu.memory_space<vmem>>) offsets(%arg8 : memref<128xi32, #tpu.memory_space<vmem>>) semaphore(%arg19 : memref<!tpu.dma_semaphore, #tpu.memory_space<semaphore_mem>>)
    %dma_start3A_29 = arith.constant 0 : i32
    %dma_start3A_30 = arith.constant 0 : i32
    %dma_start3A_31 = tpu.memref_slice %arg3[%dma_start3A_29, %dma_start3A_30] : memref<10000x128xf32, #tpu.memory_space<hbm>> -> memref<10000x128xf32, #tpu.memory_space<hbm>>
    tpu.enqueue_indirect_dma source(%dma_start3A_31 : memref<10000x128xf32, #tpu.memory_space<hbm>>) target(%arg13 : memref<128x128xf32, #tpu.memory_space<vmem>>) offsets(%arg10 : memref<128xi32, #tpu.memory_space<vmem>>) semaphore(%arg19 : memref<!tpu.dma_semaphore, #tpu.memory_space<semaphore_mem>>)
    %while3A = arith.constant 0 : i32
    %while3A_32 = arith.constant 0 : i32
    %while3A_33 = arith.subi %select_n3A, %while3A_32 : i32
    %while3A_34 = arith.addi %while3A_32, %while3A_33 : i32
    %while3A_35 = arith.constant 1 : i32
    %while3A_36 = arith.divsi %while3A_33, %while3A_35 : i32
    %while3A_37 = arith.muli %while3A_36, %while3A_35 : i32
    %while3A_38 = arith.addi %while3A_32, %while3A_37 : i32
    %while3A_39 = arith.constant 1 : i32
    scf.for %while3A_69 = %while3A_32 to %while3A_38 step %while3A_39  : i32 {
      %jit3A_70 = arith.constant 2 : i32
      %eq3A = arith.constant 0 : i32
      %eq3A_71 = arith.cmpi eq, %jit3A_70, %eq3A : i32
      %jit3A_72 = arith.constant 1 : i32
      %select_n3A_73 = arith.select %eq3A_71, %jit3A_72, %jit3A_70 : i32
      %rem3A = arith.remsi %while3A_69, %select_n3A_73 : i32
      %ne3A = arith.constant 0 : i32
      %ne3A_74 = arith.cmpi ne, %rem3A, %ne3A : i32
      %lt3A_75 = arith.constant 0 : i32
      %lt3A_76 = arith.cmpi slt, %rem3A, %lt3A_75 : i32
      %lt3A_77 = arith.constant 0 : i32
      %lt3A_78 = arith.cmpi slt, %select_n3A_73, %lt3A_77 : i32
      %ne3A_79 = arith.xori %lt3A_76, %lt3A_78 : i1
      %and3A = arith.andi %ne3A_79, %ne3A_74 : i1
      %add3A_80 = arith.addi %rem3A, %select_n3A_73 : i32
      %select_n3A_81 = arith.select %and3A, %add3A_80, %rem3A : i32
      %eq3A_82 = arith.constant 0 : i32
      %eq3A_83 = arith.cmpi eq, %select_n3A_81, %eq3A_82 : i32
      %convert_element_type3A = arith.extui %eq3A_83 : i1 to i32
      %cond3A = arith.constant 0 : i32
      %cond3A_84 = arith.cmpi ne, %convert_element_type3A, %cond3A : i32
      scf.if %cond3A_84 {
        %ge3A = arith.constant 2 : i32
        %ge3A_106 = arith.cmpi sge, %while3A_69, %ge3A : i32
        %convert_element_type3A_107 = arith.extui %ge3A_106 : i1 to i32
        %cond3A_108 = arith.constant 0 : i32
        %cond3A_109 = arith.cmpi ne, %convert_element_type3A_107, %cond3A_108 : i32
        scf.if %cond3A_109 {
          %mul3A_177 = arith.constant 32 : i32
          %mul3A_178 = arith.muli %mul3A_177, %while3A_69 : i32
          %add3A_179 = arith.addi %add3A, %mul3A_178 : i32
          %mul3A_180 = arith.constant 128 : i32
          %mul3A_181 = arith.muli %add3A_179, %mul3A_180 : i32
          %dma_wait3A_182 = arith.constant 0 : i32
          %dma_wait3A_183 = tpu.memref_slice %arg7[%dma_wait3A_182, %mul3A_181] : memref<400x320000xf32, #tpu.memory_space<hbm>> -> memref<272x128xf32, #tpu.memory_space<hbm>>
          %dma_wait3A_184 = arith.constant 0 : i32
          %dma_wait3A_185 = tpu.memref_slice %arg7[%dma_wait3A_184, %mul3A_181] : memref<400x320000xf32, #tpu.memory_space<hbm>> -> memref<272x128xf32, #tpu.memory_space<hbm>>
          tpu.wait_dma2 semaphore(%arg22 : memref<!tpu.dma_semaphore, #tpu.memory_space<semaphore_mem>>) src(%arg14 : memref<272x128xf32, #tpu.memory_space<vmem>>) dst(%dma_wait3A_185 : memref<272x128xf32, #tpu.memory_space<hbm>>)
          %dma_wait3A_186 = arith.constant 272 : i32
          %dma_wait3A_187 = tpu.memref_slice %arg7[%dma_wait3A_186, %mul3A_181] : memref<400x320000xf32, #tpu.memory_space<hbm>> -> memref<128x128xf32, #tpu.memory_space<hbm>>
          %dma_wait3A_188 = arith.constant 272 : i32
          %dma_wait3A_189 = tpu.memref_slice %arg7[%dma_wait3A_188, %mul3A_181] : memref<400x320000xf32, #tpu.memory_space<hbm>> -> memref<128x128xf32, #tpu.memory_space<hbm>>
          tpu.wait_dma2 semaphore(%arg22 : memref<!tpu.dma_semaphore, #tpu.memory_space<semaphore_mem>>) src(%arg16 : memref<128x128xf32, #tpu.memory_space<vmem>>) dst(%dma_wait3A_189 : memref<128x128xf32, #tpu.memory_space<hbm>>)
        } else {
        }
        %add3A_110 = arith.constant 1 : i32
        %add3A_111 = arith.addi %while3A_69, %add3A_110 : i32
        %lt3A_112 = arith.cmpi slt, %add3A_111, %select_n3A : i32
        %convert_element_type3A_113 = arith.extui %lt3A_112 : i1 to i32
        %cond3A_114 = arith.constant 0 : i32
        %cond3A_115 = arith.cmpi ne, %convert_element_type3A_113, %cond3A_114 : i32
        scf.if %cond3A_115 {
          %add3A_177 = arith.constant 1 : i32
          %add3A_178 = arith.addi %while3A_69, %add3A_177 : i32
          %mul3A_179 = arith.constant 32 : i32
          %mul3A_180 = arith.muli %mul3A_179, %add3A_178 : i32
          %add3A_181 = arith.addi %add3A, %mul3A_180 : i32
          %mul3A_182 = arith.constant 128 : i32
          %mul3A_183 = arith.muli %add3A_181, %mul3A_182 : i32
          %dma_start3A_184 = tpu.memref_slice %arg5[%mul3A_183] : memref<320000xi32, #tpu.memory_space<hbm>> -> memref<128xi32, #tpu.memory_space<hbm>>
          %dma_start3A_185 = tpu.memref_slice %arg5[%mul3A_183] : memref<320000xi32, #tpu.memory_space<hbm>> -> memref<128xi32, #tpu.memory_space<hbm>>
          tpu.enqueue_dma source(%dma_start3A_185 : memref<128xi32, #tpu.memory_space<hbm>>) target(%arg9 : memref<128xi32, #tpu.memory_space<vmem>>) target_semaphore(%arg18 : memref<!tpu.dma_semaphore, #tpu.memory_space<semaphore_mem>>)
          %dma_start3A_186 = tpu.memref_slice %arg6[%mul3A_183] : memref<320000xi32, #tpu.memory_space<hbm>> -> memref<128xi32, #tpu.memory_space<hbm>>
          %dma_start3A_187 = tpu.memref_slice %arg6[%mul3A_183] : memref<320000xi32, #tpu.memory_space<hbm>> -> memref<128xi32, #tpu.memory_space<hbm>>
          tpu.enqueue_dma source(%dma_start3A_187 : memref<128xi32, #tpu.memory_space<hbm>>) target(%arg11 : memref<128xi32, #tpu.memory_space<vmem>>) target_semaphore(%arg18 : memref<!tpu.dma_semaphore, #tpu.memory_space<semaphore_mem>>)
        } else {
        }
        %mul3A_116 = arith.constant 32 : i32
        %mul3A_117 = arith.muli %mul3A_116, %while3A_69 : i32
        %add3A_118 = arith.addi %add3A, %mul3A_117 : i32
        %mul3A_119 = arith.constant 128 : i32
        %mul3A_120 = arith.muli %add3A_118, %mul3A_119 : i32
        %dma_start3A_121 = arith.constant 0 : i32
        %dma_start3A_122 = arith.constant 0 : i32
        %dma_start3A_123 = tpu.memref_slice %arg14[%dma_start3A_121, %dma_start3A_122] : memref<272x128xf32, #tpu.memory_space<vmem>> -> memref<16x128xf32, #tpu.memory_space<vmem>>
        %dma_start3A_124 = arith.constant 0 : i32
        %dma_start3A_125 = tpu.memref_slice %arg2[%dma_start3A_124, %mul3A_120] : memref<16x320000xf32, #tpu.memory_space<hbm>> -> memref<16x128xf32, #tpu.memory_space<hbm>>
        %dma_start3A_126 = arith.constant 0 : i32
        %dma_start3A_127 = arith.constant 0 : i32
        %dma_start3A_128 = tpu.memref_slice %arg14[%dma_start3A_126, %dma_start3A_127] : memref<272x128xf32, #tpu.memory_space<vmem>> -> memref<16x128xf32, #tpu.memory_space<vmem>>
        %dma_start3A_129 = arith.constant 0 : i32
        %dma_start3A_130 = tpu.memref_slice %arg2[%dma_start3A_129, %mul3A_120] : memref<16x320000xf32, #tpu.memory_space<hbm>> -> memref<16x128xf32, #tpu.memory_space<hbm>>
        tpu.enqueue_dma source(%dma_start3A_130 : memref<16x128xf32, #tpu.memory_space<hbm>>) target(%dma_start3A_128 : memref<16x128xf32, #tpu.memory_space<vmem>>) target_semaphore(%arg20 : memref<!tpu.dma_semaphore, #tpu.memory_space<semaphore_mem>>)
        %dma_wait3A_131 = arith.constant 0 : i32
        %dma_wait3A_132 = arith.constant 0 : i32
        %dma_wait3A_133 = tpu.memref_slice %arg3[%dma_wait3A_131, %dma_wait3A_132] : memref<10000x128xf32, #tpu.memory_space<hbm>> -> memref<10000x128xf32, #tpu.memory_space<hbm>>
        tpu.wait_indirect_dma semaphore(%arg19 : memref<!tpu.dma_semaphore, #tpu.memory_space<semaphore_mem>>) src(%dma_wait3A_133 : memref<10000x128xf32, #tpu.memory_space<hbm>>) dst(%arg12 : memref<128x128xf32, #tpu.memory_space<vmem>>)
        %dma_wait3A_134 = arith.constant 0 : i32
        %dma_wait3A_135 = arith.constant 0 : i32
        %dma_wait3A_136 = tpu.memref_slice %arg3[%dma_wait3A_134, %dma_wait3A_135] : memref<10000x128xf32, #tpu.memory_space<hbm>> -> memref<10000x128xf32, #tpu.memory_space<hbm>>
        tpu.wait_indirect_dma semaphore(%arg19 : memref<!tpu.dma_semaphore, #tpu.memory_space<semaphore_mem>>) src(%dma_wait3A_136 : memref<10000x128xf32, #tpu.memory_space<hbm>>) dst(%arg13 : memref<128x128xf32, #tpu.memory_space<vmem>>)
        %scan3A_137 = arith.constant 0 : i32
        %scan3A_138 = arith.constant 0 : i32
        %scan3A_139 = arith.constant 128 : i32
        %scan3A_140 = arith.addi %scan3A_138, %scan3A_139 : i32
        %scan3A_141 = arith.constant 1 : i32
        scf.for %scan3A_177 = %scan3A_138 to %scan3A_140 step %scan3A_141  : i32 {
          %broadcast_in_dim3A = vector.broadcast %scan3A_177 : i32 to vector<16xi32>
          %get3A = arith.index_cast %scan3A_177 : i32 to index
          %get3A_178 = arith.constant 0 : index
          %get3A_179 = tpu.vector_load %arg12[%get3A, %get3A_178] {strides = array<i32>} : memref<128x128xf32, #tpu.memory_space<vmem>>, vector<16xf32>,
          %add3A_180 = arith.constant 16 : i32
          %add3A_181 = vector.broadcast %add3A_180 : i32 to vector<16xi32>
          %add3A_182 = arith.addi %add3A_181, %iota3A : vector<16xi32>
          tpu.vector_store_idx %arg14[%add3A_182, %broadcast_in_dim3A], %get3A_179 : memref<272x128xf32, #tpu.memory_space<vmem>>[vector<16xi32>, vector<16xi32>], vector<16xf32>,
          %get3A_183 = arith.index_cast %scan3A_177 : i32 to index
          %get3A_184 = arith.constant 0 : index
          %get3A_185 = tpu.vector_load %arg13[%get3A_183, %get3A_184] {strides = array<i32>} : memref<128x128xf32, #tpu.memory_space<vmem>>, vector<16xf32>,
          %add3A_186 = arith.constant 144 : i32
          %add3A_187 = vector.broadcast %add3A_186 : i32 to vector<16xi32>
          %add3A_188 = arith.addi %add3A_187, %iota3A : vector<16xi32>
          tpu.vector_store_idx %arg14[%add3A_188, %broadcast_in_dim3A], %get3A_185 : memref<272x128xf32, #tpu.memory_space<vmem>>[vector<16xi32>, vector<16xi32>], vector<16xf32>,
          %get3A_189 = arith.index_cast %scan3A_177 : i32 to index
          %get3A_190 = arith.constant 16 : index
          %get3A_191 = tpu.vector_load %arg12[%get3A_189, %get3A_190] {strides = array<i32>} : memref<128x128xf32, #tpu.memory_space<vmem>>, vector<16xf32>,
          %add3A_192 = arith.constant 32 : i32
          %add3A_193 = vector.broadcast %add3A_192 : i32 to vector<16xi32>
          %add3A_194 = arith.addi %add3A_193, %iota3A : vector<16xi32>
          tpu.vector_store_idx %arg14[%add3A_194, %broadcast_in_dim3A], %get3A_191 : memref<272x128xf32, #tpu.memory_space<vmem>>[vector<16xi32>, vector<16xi32>], vector<16xf32>,
          %get3A_195 = arith.index_cast %scan3A_177 : i32 to index
          %get3A_196 = arith.constant 16 : index
          %get3A_197 = tpu.vector_load %arg13[%get3A_195, %get3A_196] {strides = array<i32>} : memref<128x128xf32, #tpu.memory_space<vmem>>, vector<16xf32>,
          %add3A_198 = arith.constant 160 : i32
          %add3A_199 = vector.broadcast %add3A_198 : i32 to vector<16xi32>
          %add3A_200 = arith.addi %add3A_199, %iota3A : vector<16xi32>
          tpu.vector_store_idx %arg14[%add3A_200, %broadcast_in_dim3A], %get3A_197 : memref<272x128xf32, #tpu.memory_space<vmem>>[vector<16xi32>, vector<16xi32>], vector<16xf32>,
          %get3A_201 = arith.index_cast %scan3A_177 : i32 to index
          %get3A_202 = arith.constant 32 : index
          %get3A_203 = tpu.vector_load %arg12[%get3A_201, %get3A_202] {strides = array<i32>} : memref<128x128xf32, #tpu.memory_space<vmem>>, vector<16xf32>,
          %add3A_204 = arith.constant 48 : i32
          %add3A_205 = vector.broadcast %add3A_204 : i32 to vector<16xi32>
          %add3A_206 = arith.addi %add3A_205, %iota3A : vector<16xi32>
          tpu.vector_store_idx %arg14[%add3A_206, %broadcast_in_dim3A], %get3A_203 : memref<272x128xf32, #tpu.memory_space<vmem>>[vector<16xi32>, vector<16xi32>], vector<16xf32>,
          %get3A_207 = arith.index_cast %scan3A_177 : i32 to index
          %get3A_208 = arith.constant 32 : index
          %get3A_209 = tpu.vector_load %arg13[%get3A_207, %get3A_208] {strides = array<i32>} : memref<128x128xf32, #tpu.memory_space<vmem>>, vector<16xf32>,
          %add3A_210 = arith.constant 176 : i32
          %add3A_211 = vector.broadcast %add3A_210 : i32 to vector<16xi32>
          %add3A_212 = arith.addi %add3A_211, %iota3A : vector<16xi32>
          tpu.vector_store_idx %arg14[%add3A_212, %broadcast_in_dim3A], %get3A_209 : memref<272x128xf32, #tpu.memory_space<vmem>>[vector<16xi32>, vector<16xi32>], vector<16xf32>,
          %get3A_213 = arith.index_cast %scan3A_177 : i32 to index
          %get3A_214 = arith.constant 48 : index
          %get3A_215 = tpu.vector_load %arg12[%get3A_213, %get3A_214] {strides = array<i32>} : memref<128x128xf32, #tpu.memory_space<vmem>>, vector<16xf32>,
          %add3A_216 = arith.constant 64 : i32
          %add3A_217 = vector.broadcast %add3A_216 : i32 to vector<16xi32>
          %add3A_218 = arith.addi %add3A_217, %iota3A : vector<16xi32>
          tpu.vector_store_idx %arg14[%add3A_218, %broadcast_in_dim3A], %get3A_215 : memref<272x128xf32, #tpu.memory_space<vmem>>[vector<16xi32>, vector<16xi32>], vector<16xf32>,
          %get3A_219 = arith.index_cast %scan3A_177 : i32 to index
          %get3A_220 = arith.constant 48 : index
          %get3A_221 = tpu.vector_load %arg13[%get3A_219, %get3A_220] {strides = array<i32>} : memref<128x128xf32, #tpu.memory_space<vmem>>, vector<16xf32>,
          %add3A_222 = arith.constant 192 : i32
          %add3A_223 = vector.broadcast %add3A_222 : i32 to vector<16xi32>
          %add3A_224 = arith.addi %add3A_223, %iota3A : vector<16xi32>
          tpu.vector_store_idx %arg14[%add3A_224, %broadcast_in_dim3A], %get3A_221 : memref<272x128xf32, #tpu.memory_space<vmem>>[vector<16xi32>, vector<16xi32>], vector<16xf32>,
          %get3A_225 = arith.index_cast %scan3A_177 : i32 to index
          %get3A_226 = arith.constant 64 : index
          %get3A_227 = tpu.vector_load %arg12[%get3A_225, %get3A_226] {strides = array<i32>} : memref<128x128xf32, #tpu.memory_space<vmem>>, vector<16xf32>,
          %add3A_228 = arith.constant 80 : i32
          %add3A_229 = vector.broadcast %add3A_228 : i32 to vector<16xi32>
          %add3A_230 = arith.addi %add3A_229, %iota3A : vector<16xi32>
          tpu.vector_store_idx %arg14[%add3A_230, %broadcast_in_dim3A], %get3A_227 : memref<272x128xf32, #tpu.memory_space<vmem>>[vector<16xi32>, vector<16xi32>], vector<16xf32>,
          %get3A_231 = arith.index_cast %scan3A_177 : i32 to index
          %get3A_232 = arith.constant 64 : index
          %get3A_233 = tpu.vector_load %arg13[%get3A_231, %get3A_232] {strides = array<i32>} : memref<128x128xf32, #tpu.memory_space<vmem>>, vector<16xf32>,
          %add3A_234 = arith.constant 208 : i32
          %add3A_235 = vector.broadcast %add3A_234 : i32 to vector<16xi32>
          %add3A_236 = arith.addi %add3A_235, %iota3A : vector<16xi32>
          tpu.vector_store_idx %arg14[%add3A_236, %broadcast_in_dim3A], %get3A_233 : memref<272x128xf32, #tpu.memory_space<vmem>>[vector<16xi32>, vector<16xi32>], vector<16xf32>,
          %get3A_237 = arith.index_cast %scan3A_177 : i32 to index
          %get3A_238 = arith.constant 80 : index
          %get3A_239 = tpu.vector_load %arg12[%get3A_237, %get3A_238] {strides = array<i32>} : memref<128x128xf32, #tpu.memory_space<vmem>>, vector<16xf32>,
          %add3A_240 = arith.constant 96 : i32
          %add3A_241 = vector.broadcast %add3A_240 : i32 to vector<16xi32>
          %add3A_242 = arith.addi %add3A_241, %iota3A : vector<16xi32>
          tpu.vector_store_idx %arg14[%add3A_242, %broadcast_in_dim3A], %get3A_239 : memref<272x128xf32, #tpu.memory_space<vmem>>[vector<16xi32>, vector<16xi32>], vector<16xf32>,
          %get3A_243 = arith.index_cast %scan3A_177 : i32 to index
          %get3A_244 = arith.constant 80 : index
          %get3A_245 = tpu.vector_load %arg13[%get3A_243, %get3A_244] {strides = array<i32>} : memref<128x128xf32, #tpu.memory_space<vmem>>, vector<16xf32>,
          %add3A_246 = arith.constant 224 : i32
          %add3A_247 = vector.broadcast %add3A_246 : i32 to vector<16xi32>
          %add3A_248 = arith.addi %add3A_247, %iota3A : vector<16xi32>
          tpu.vector_store_idx %arg14[%add3A_248, %broadcast_in_dim3A], %get3A_245 : memref<272x128xf32, #tpu.memory_space<vmem>>[vector<16xi32>, vector<16xi32>], vector<16xf32>,
          %get3A_249 = arith.index_cast %scan3A_177 : i32 to index
          %get3A_250 = arith.constant 96 : index
          %get3A_251 = tpu.vector_load %arg12[%get3A_249, %get3A_250] {strides = array<i32>} : memref<128x128xf32, #tpu.memory_space<vmem>>, vector<16xf32>,
          %add3A_252 = arith.constant 112 : i32
          %add3A_253 = vector.broadcast %add3A_252 : i32 to vector<16xi32>
          %add3A_254 = arith.addi %add3A_253, %iota3A : vector<16xi32>
          tpu.vector_store_idx %arg14[%add3A_254, %broadcast_in_dim3A], %get3A_251 : memref<272x128xf32, #tpu.memory_space<vmem>>[vector<16xi32>, vector<16xi32>], vector<16xf32>,
          %get3A_255 = arith.index_cast %scan3A_177 : i32 to index
          %get3A_256 = arith.constant 96 : index
          %get3A_257 = tpu.vector_load %arg13[%get3A_255, %get3A_256] {strides = array<i32>} : memref<128x128xf32, #tpu.memory_space<vmem>>, vector<16xf32>,
          %add3A_258 = arith.constant 240 : i32
          %add3A_259 = vector.broadcast %add3A_258 : i32 to vector<16xi32>
          %add3A_260 = arith.addi %add3A_259, %iota3A : vector<16xi32>
          tpu.vector_store_idx %arg14[%add3A_260, %broadcast_in_dim3A], %get3A_257 : memref<272x128xf32, #tpu.memory_space<vmem>>[vector<16xi32>, vector<16xi32>], vector<16xf32>,
          %get3A_261 = arith.index_cast %scan3A_177 : i32 to index
          %get3A_262 = arith.constant 112 : index
          %get3A_263 = tpu.vector_load %arg12[%get3A_261, %get3A_262] {strides = array<i32>} : memref<128x128xf32, #tpu.memory_space<vmem>>, vector<16xf32>,
          %add3A_264 = arith.constant 128 : i32
          %add3A_265 = vector.broadcast %add3A_264 : i32 to vector<16xi32>
          %add3A_266 = arith.addi %add3A_265, %iota3A : vector<16xi32>
          tpu.vector_store_idx %arg14[%add3A_266, %broadcast_in_dim3A], %get3A_263 : memref<272x128xf32, #tpu.memory_space<vmem>>[vector<16xi32>, vector<16xi32>], vector<16xf32>,
          %get3A_267 = arith.index_cast %scan3A_177 : i32 to index
          %get3A_268 = arith.constant 112 : index
          %get3A_269 = tpu.vector_load %arg13[%get3A_267, %get3A_268] {strides = array<i32>} : memref<128x128xf32, #tpu.memory_space<vmem>>, vector<16xf32>,
          %add3A_270 = arith.constant 256 : i32
          %add3A_271 = vector.broadcast %add3A_270 : i32 to vector<16xi32>
          %add3A_272 = arith.addi %add3A_271, %iota3A : vector<16xi32>
          tpu.vector_store_idx %arg14[%add3A_272, %broadcast_in_dim3A], %get3A_269 : memref<272x128xf32, #tpu.memory_space<vmem>>[vector<16xi32>, vector<16xi32>], vector<16xf32>,
        }
        %scan3A_142 = arith.constant 128 : i32
        %add3A_143 = arith.constant 1 : i32
        %add3A_144 = arith.addi %while3A_69, %add3A_143 : i32
        %lt3A_145 = arith.cmpi slt, %add3A_144, %select_n3A : i32
        %convert_element_type3A_146 = arith.extui %lt3A_145 : i1 to i32
        %cond3A_147 = arith.constant 0 : i32
        %cond3A_148 = arith.cmpi ne, %convert_element_type3A_146, %cond3A_147 : i32
        scf.if %cond3A_148 {
          %add3A_177 = arith.constant 1 : i32
          %add3A_178 = arith.addi %while3A_69, %add3A_177 : i32
          %mul3A_179 = arith.constant 32 : i32
          %mul3A_180 = arith.muli %mul3A_179, %add3A_178 : i32
          %add3A_181 = arith.addi %add3A, %mul3A_180 : i32
          %mul3A_182 = arith.constant 128 : i32
          %mul3A_183 = arith.muli %add3A_181, %mul3A_182 : i32
          %dma_wait3A_184 = tpu.memref_slice %arg5[%mul3A_183] : memref<320000xi32, #tpu.memory_space<hbm>> -> memref<128xi32, #tpu.memory_space<hbm>>
          %dma_wait3A_185 = tpu.memref_slice %arg5[%mul3A_183] : memref<320000xi32, #tpu.memory_space<hbm>> -> memref<128xi32, #tpu.memory_space<hbm>>
          tpu.wait_dma2 semaphore(%arg18 : memref<!tpu.dma_semaphore, #tpu.memory_space<semaphore_mem>>) src(%dma_wait3A_185 : memref<128xi32, #tpu.memory_space<hbm>>) dst(%arg9 : memref<128xi32, #tpu.memory_space<vmem>>)
          %dma_wait3A_186 = tpu.memref_slice %arg6[%mul3A_183] : memref<320000xi32, #tpu.memory_space<hbm>> -> memref<128xi32, #tpu.memory_space<hbm>>
          %dma_wait3A_187 = tpu.memref_slice %arg6[%mul3A_183] : memref<320000xi32, #tpu.memory_space<hbm>> -> memref<128xi32, #tpu.memory_space<hbm>>
          tpu.wait_dma2 semaphore(%arg18 : memref<!tpu.dma_semaphore, #tpu.memory_space<semaphore_mem>>) src(%dma_wait3A_187 : memref<128xi32, #tpu.memory_space<hbm>>) dst(%arg11 : memref<128xi32, #tpu.memory_space<vmem>>)
          %dma_start3A_188 = arith.constant 0 : i32
          %dma_start3A_189 = arith.constant 0 : i32
          %dma_start3A_190 = tpu.memref_slice %arg3[%dma_start3A_188, %dma_start3A_189] : memref<10000x128xf32, #tpu.memory_space<hbm>> -> memref<10000x128xf32, #tpu.memory_space<hbm>>
          tpu.enqueue_indirect_dma source(%dma_start3A_190 : memref<10000x128xf32, #tpu.memory_space<hbm>>) target(%arg12 : memref<128x128xf32, #tpu.memory_space<vmem>>) offsets(%arg9 : memref<128xi32, #tpu.memory_space<vmem>>) semaphore(%arg19 : memref<!tpu.dma_semaphore, #tpu.memory_space<semaphore_mem>>)
          %dma_start3A_191 = arith.constant 0 : i32
          %dma_start3A_192 = arith.constant 0 : i32
          %dma_start3A_193 = tpu.memref_slice %arg3[%dma_start3A_191, %dma_start3A_192] : memref<10000x128xf32, #tpu.memory_space<hbm>> -> memref<10000x128xf32, #tpu.memory_space<hbm>>
          tpu.enqueue_indirect_dma source(%dma_start3A_193 : memref<10000x128xf32, #tpu.memory_space<hbm>>) target(%arg13 : memref<128x128xf32, #tpu.memory_space<vmem>>) offsets(%arg11 : memref<128xi32, #tpu.memory_space<vmem>>) semaphore(%arg19 : memref<!tpu.dma_semaphore, #tpu.memory_space<semaphore_mem>>)
        } else {
        }
        %mul3A_149 = arith.constant 32 : i32
        %mul3A_150 = arith.muli %mul3A_149, %while3A_69 : i32
        %add3A_151 = arith.addi %add3A, %mul3A_150 : i32
        %mul3A_152 = arith.constant 128 : i32
        %mul3A_153 = arith.muli %add3A_151, %mul3A_152 : i32
        %dma_wait3A_154 = arith.constant 0 : i32
        %dma_wait3A_155 = arith.constant 0 : i32
        %dma_wait3A_156 = tpu.memref_slice %arg14[%dma_wait3A_154, %dma_wait3A_155] : memref<272x128xf32, #tpu.memory_space<vmem>> -> memref<16x128xf32, #tpu.memory_space<vmem>>
        %dma_wait3A_157 = arith.constant 0 : i32
        %dma_wait3A_158 = tpu.memref_slice %arg2[%dma_wait3A_157, %mul3A_153] : memref<16x320000xf32, #tpu.memory_space<hbm>> -> memref<16x128xf32, #tpu.memory_space<hbm>>
        %dma_wait3A_159 = arith.constant 0 : i32
        %dma_wait3A_160 = arith.constant 0 : i32
        %dma_wait3A_161 = tpu.memref_slice %arg14[%dma_wait3A_159, %dma_wait3A_160] : memref<272x128xf32, #tpu.memory_space<vmem>> -> memref<16x128xf32, #tpu.memory_space<vmem>>
        %dma_wait3A_162 = arith.constant 0 : i32
        %dma_wait3A_163 = tpu.memref_slice %arg2[%dma_wait3A_162, %mul3A_153] : memref<16x320000xf32, #tpu.memory_space<hbm>> -> memref<16x128xf32, #tpu.memory_space<hbm>>
        tpu.wait_dma2 semaphore(%arg20 : memref<!tpu.dma_semaphore, #tpu.memory_space<semaphore_mem>>) src(%dma_wait3A_163 : memref<16x128xf32, #tpu.memory_space<hbm>>) dst(%dma_wait3A_161 : memref<16x128xf32, #tpu.memory_space<vmem>>)
        %mul3A_164 = arith.constant 32 : i32
        %mul3A_165 = arith.muli %mul3A_164, %while3A_69 : i32
        %add3A_166 = arith.addi %add3A, %mul3A_165 : i32
        %mul3A_167 = arith.constant 128 : i32
        %mul3A_168 = arith.muli %add3A_166, %mul3A_167 : i32
        %dma_start3A_169 = arith.constant 0 : i32
        %dma_start3A_170 = tpu.memref_slice %arg7[%dma_start3A_169, %mul3A_168] : memref<400x320000xf32, #tpu.memory_space<hbm>> -> memref<272x128xf32, #tpu.memory_space<hbm>>
        %dma_start3A_171 = arith.constant 0 : i32
        %dma_start3A_172 = tpu.memref_slice %arg7[%dma_start3A_171, %mul3A_168] : memref<400x320000xf32, #tpu.memory_space<hbm>> -> memref<272x128xf32, #tpu.memory_space<hbm>>
        tpu.enqueue_dma source(%arg14 : memref<272x128xf32, #tpu.memory_space<vmem>>) target(%dma_start3A_172 : memref<272x128xf32, #tpu.memory_space<hbm>>) target_semaphore(%arg22 : memref<!tpu.dma_semaphore, #tpu.memory_space<semaphore_mem>>)
        %dma_start3A_173 = arith.constant 272 : i32
        %dma_start3A_174 = tpu.memref_slice %arg7[%dma_start3A_173, %mul3A_168] : memref<400x320000xf32, #tpu.memory_space<hbm>> -> memref<128x128xf32, #tpu.memory_space<hbm>>
        %dma_start3A_175 = arith.constant 272 : i32
        %dma_start3A_176 = tpu.memref_slice %arg7[%dma_start3A_175, %mul3A_168] : memref<400x320000xf32, #tpu.memory_space<hbm>> -> memref<128x128xf32, #tpu.memory_space<hbm>>
        tpu.enqueue_dma source(%arg16 : memref<128x128xf32, #tpu.memory_space<vmem>>) target(%dma_start3A_176 : memref<128x128xf32, #tpu.memory_space<hbm>>) target_semaphore(%arg22 : memref<!tpu.dma_semaphore, #tpu.memory_space<semaphore_mem>>)
      } else {
      }
      %jit3A_85 = arith.constant 2 : i32
      %eq3A_86 = arith.constant 0 : i32
      %eq3A_87 = arith.cmpi eq, %jit3A_85, %eq3A_86 : i32
      %jit3A_88 = arith.constant 1 : i32
      %select_n3A_89 = arith.select %eq3A_87, %jit3A_88, %jit3A_85 : i32
      %rem3A_90 = arith.remsi %while3A_69, %select_n3A_89 : i32
      %ne3A_91 = arith.constant 0 : i32
      %ne3A_92 = arith.cmpi ne, %rem3A_90, %ne3A_91 : i32
      %lt3A_93 = arith.constant 0 : i32
      %lt3A_94 = arith.cmpi slt, %rem3A_90, %lt3A_93 : i32
      %lt3A_95 = arith.constant 0 : i32
      %lt3A_96 = arith.cmpi slt, %select_n3A_89, %lt3A_95 : i32
      %ne3A_97 = arith.xori %lt3A_94, %lt3A_96 : i1
      %and3A_98 = arith.andi %ne3A_97, %ne3A_92 : i1
      %add3A_99 = arith.addi %rem3A_90, %select_n3A_89 : i32
      %select_n3A_100 = arith.select %and3A_98, %add3A_99, %rem3A_90 : i32
      %eq3A_101 = arith.constant 1 : i32
      %eq3A_102 = arith.cmpi eq, %select_n3A_100, %eq3A_101 : i32
      %convert_element_type3A_103 = arith.extui %eq3A_102 : i1 to i32
      %cond3A_104 = arith.constant 0 : i32
      %cond3A_105 = arith.cmpi ne, %convert_element_type3A_103, %cond3A_104 : i32
      scf.if %cond3A_105 {
        %ge3A = arith.constant 2 : i32
        %ge3A_106 = arith.cmpi sge, %while3A_69, %ge3A : i32
        %convert_element_type3A_107 = arith.extui %ge3A_106 : i1 to i32
        %cond3A_108 = arith.constant 0 : i32
        %cond3A_109 = arith.cmpi ne, %convert_element_type3A_107, %cond3A_108 : i32
        scf.if %cond3A_109 {
          %mul3A_177 = arith.constant 32 : i32
          %mul3A_178 = arith.muli %mul3A_177, %while3A_69 : i32
          %add3A_179 = arith.addi %add3A, %mul3A_178 : i32
          %mul3A_180 = arith.constant 128 : i32
          %mul3A_181 = arith.muli %add3A_179, %mul3A_180 : i32
          %dma_wait3A_182 = arith.constant 0 : i32
          %dma_wait3A_183 = tpu.memref_slice %arg7[%dma_wait3A_182, %mul3A_181] : memref<400x320000xf32, #tpu.memory_space<hbm>> -> memref<272x128xf32, #tpu.memory_space<hbm>>
          %dma_wait3A_184 = arith.constant 0 : i32
          %dma_wait3A_185 = tpu.memref_slice %arg7[%dma_wait3A_184, %mul3A_181] : memref<400x320000xf32, #tpu.memory_space<hbm>> -> memref<272x128xf32, #tpu.memory_space<hbm>>
          tpu.wait_dma2 semaphore(%arg23 : memref<!tpu.dma_semaphore, #tpu.memory_space<semaphore_mem>>) src(%arg15 : memref<272x128xf32, #tpu.memory_space<vmem>>) dst(%dma_wait3A_185 : memref<272x128xf32, #tpu.memory_space<hbm>>)
          %dma_wait3A_186 = arith.constant 272 : i32
          %dma_wait3A_187 = tpu.memref_slice %arg7[%dma_wait3A_186, %mul3A_181] : memref<400x320000xf32, #tpu.memory_space<hbm>> -> memref<128x128xf32, #tpu.memory_space<hbm>>
          %dma_wait3A_188 = arith.constant 272 : i32
          %dma_wait3A_189 = tpu.memref_slice %arg7[%dma_wait3A_188, %mul3A_181] : memref<400x320000xf32, #tpu.memory_space<hbm>> -> memref<128x128xf32, #tpu.memory_space<hbm>>
          tpu.wait_dma2 semaphore(%arg23 : memref<!tpu.dma_semaphore, #tpu.memory_space<semaphore_mem>>) src(%arg16 : memref<128x128xf32, #tpu.memory_space<vmem>>) dst(%dma_wait3A_189 : memref<128x128xf32, #tpu.memory_space<hbm>>)
        } else {
        }
        %add3A_110 = arith.constant 1 : i32
        %add3A_111 = arith.addi %while3A_69, %add3A_110 : i32
        %lt3A_112 = arith.cmpi slt, %add3A_111, %select_n3A : i32
        %convert_element_type3A_113 = arith.extui %lt3A_112 : i1 to i32
        %cond3A_114 = arith.constant 0 : i32
        %cond3A_115 = arith.cmpi ne, %convert_element_type3A_113, %cond3A_114 : i32
        scf.if %cond3A_115 {
          %add3A_177 = arith.constant 1 : i32
          %add3A_178 = arith.addi %while3A_69, %add3A_177 : i32
          %mul3A_179 = arith.constant 32 : i32
          %mul3A_180 = arith.muli %mul3A_179, %add3A_178 : i32
          %add3A_181 = arith.addi %add3A, %mul3A_180 : i32
          %mul3A_182 = arith.constant 128 : i32
          %mul3A_183 = arith.muli %add3A_181, %mul3A_182 : i32
          %dma_start3A_184 = tpu.memref_slice %arg5[%mul3A_183] : memref<320000xi32, #tpu.memory_space<hbm>> -> memref<128xi32, #tpu.memory_space<hbm>>
          %dma_start3A_185 = tpu.memref_slice %arg5[%mul3A_183] : memref<320000xi32, #tpu.memory_space<hbm>> -> memref<128xi32, #tpu.memory_space<hbm>>
          tpu.enqueue_dma source(%dma_start3A_185 : memref<128xi32, #tpu.memory_space<hbm>>) target(%arg8 : memref<128xi32, #tpu.memory_space<vmem>>) target_semaphore(%arg18 : memref<!tpu.dma_semaphore, #tpu.memory_space<semaphore_mem>>)
          %dma_start3A_186 = tpu.memref_slice %arg6[%mul3A_183] : memref<320000xi32, #tpu.memory_space<hbm>> -> memref<128xi32, #tpu.memory_space<hbm>>
          %dma_start3A_187 = tpu.memref_slice %arg6[%mul3A_183] : memref<320000xi32, #tpu.memory_space<hbm>> -> memref<128xi32, #tpu.memory_space<hbm>>
          tpu.enqueue_dma source(%dma_start3A_187 : memref<128xi32, #tpu.memory_space<hbm>>) target(%arg10 : memref<128xi32, #tpu.memory_space<vmem>>) target_semaphore(%arg18 : memref<!tpu.dma_semaphore, #tpu.memory_space<semaphore_mem>>)
        } else {
        }
        %mul3A_116 = arith.constant 32 : i32
        %mul3A_117 = arith.muli %mul3A_116, %while3A_69 : i32
        %add3A_118 = arith.addi %add3A, %mul3A_117 : i32
        %mul3A_119 = arith.constant 128 : i32
        %mul3A_120 = arith.muli %add3A_118, %mul3A_119 : i32
        %dma_start3A_121 = arith.constant 0 : i32
        %dma_start3A_122 = arith.constant 0 : i32
        %dma_start3A_123 = tpu.memref_slice %arg15[%dma_start3A_121, %dma_start3A_122] : memref<272x128xf32, #tpu.memory_space<vmem>> -> memref<16x128xf32, #tpu.memory_space<vmem>>
        %dma_start3A_124 = arith.constant 0 : i32
        %dma_start3A_125 = tpu.memref_slice %arg2[%dma_start3A_124, %mul3A_120] : memref<16x320000xf32, #tpu.memory_space<hbm>> -> memref<16x128xf32, #tpu.memory_space<hbm>>
        %dma_start3A_126 = arith.constant 0 : i32
        %dma_start3A_127 = arith.constant 0 : i32
        %dma_start3A_128 = tpu.memref_slice %arg15[%dma_start3A_126, %dma_start3A_127] : memref<272x128xf32, #tpu.memory_space<vmem>> -> memref<16x128xf32, #tpu.memory_space<vmem>>
        %dma_start3A_129 = arith.constant 0 : i32
        %dma_start3A_130 = tpu.memref_slice %arg2[%dma_start3A_129, %mul3A_120] : memref<16x320000xf32, #tpu.memory_space<hbm>> -> memref<16x128xf32, #tpu.memory_space<hbm>>
        tpu.enqueue_dma source(%dma_start3A_130 : memref<16x128xf32, #tpu.memory_space<hbm>>) target(%dma_start3A_128 : memref<16x128xf32, #tpu.memory_space<vmem>>) target_semaphore(%arg21 : memref<!tpu.dma_semaphore, #tpu.memory_space<semaphore_mem>>)
        %dma_wait3A_131 = arith.constant 0 : i32
        %dma_wait3A_132 = arith.constant 0 : i32
        %dma_wait3A_133 = tpu.memref_slice %arg3[%dma_wait3A_131, %dma_wait3A_132] : memref<10000x128xf32, #tpu.memory_space<hbm>> -> memref<10000x128xf32, #tpu.memory_space<hbm>>
        tpu.wait_indirect_dma semaphore(%arg19 : memref<!tpu.dma_semaphore, #tpu.memory_space<semaphore_mem>>) src(%dma_wait3A_133 : memref<10000x128xf32, #tpu.memory_space<hbm>>) dst(%arg12 : memref<128x128xf32, #tpu.memory_space<vmem>>)
        %dma_wait3A_134 = arith.constant 0 : i32
        %dma_wait3A_135 = arith.constant 0 : i32
        %dma_wait3A_136 = tpu.memref_slice %arg3[%dma_wait3A_134, %dma_wait3A_135] : memref<10000x128xf32, #tpu.memory_space<hbm>> -> memref<10000x128xf32, #tpu.memory_space<hbm>>
        tpu.wait_indirect_dma semaphore(%arg19 : memref<!tpu.dma_semaphore, #tpu.memory_space<semaphore_mem>>) src(%dma_wait3A_136 : memref<10000x128xf32, #tpu.memory_space<hbm>>) dst(%arg13 : memref<128x128xf32, #tpu.memory_space<vmem>>)
        %scan3A_137 = arith.constant 0 : i32
        %scan3A_138 = arith.constant 0 : i32
        %scan3A_139 = arith.constant 128 : i32
        %scan3A_140 = arith.addi %scan3A_138, %scan3A_139 : i32
        %scan3A_141 = arith.constant 1 : i32
        scf.for %scan3A_177 = %scan3A_138 to %scan3A_140 step %scan3A_141  : i32 {
          %broadcast_in_dim3A = vector.broadcast %scan3A_177 : i32 to vector<16xi32>
          %get3A = arith.index_cast %scan3A_177 : i32 to index
          %get3A_178 = arith.constant 0 : index
          %get3A_179 = tpu.vector_load %arg12[%get3A, %get3A_178] {strides = array<i32>} : memref<128x128xf32, #tpu.memory_space<vmem>>, vector<16xf32>,
          %add3A_180 = arith.constant 16 : i32
          %add3A_181 = vector.broadcast %add3A_180 : i32 to vector<16xi32>
          %add3A_182 = arith.addi %add3A_181, %iota3A : vector<16xi32>
          tpu.vector_store_idx %arg15[%add3A_182, %broadcast_in_dim3A], %get3A_179 : memref<272x128xf32, #tpu.memory_space<vmem>>[vector<16xi32>, vector<16xi32>], vector<16xf32>,
          %get3A_183 = arith.index_cast %scan3A_177 : i32 to index
          %get3A_184 = arith.constant 0 : index
          %get3A_185 = tpu.vector_load %arg13[%get3A_183, %get3A_184] {strides = array<i32>} : memref<128x128xf32, #tpu.memory_space<vmem>>, vector<16xf32>,
          %add3A_186 = arith.constant 144 : i32
          %add3A_187 = vector.broadcast %add3A_186 : i32 to vector<16xi32>
          %add3A_188 = arith.addi %add3A_187, %iota3A : vector<16xi32>
          tpu.vector_store_idx %arg15[%add3A_188, %broadcast_in_dim3A], %get3A_185 : memref<272x128xf32, #tpu.memory_space<vmem>>[vector<16xi32>, vector<16xi32>], vector<16xf32>,
          %get3A_189 = arith.index_cast %scan3A_177 : i32 to index
          %get3A_190 = arith.constant 16 : index
          %get3A_191 = tpu.vector_load %arg12[%get3A_189, %get3A_190] {strides = array<i32>} : memref<128x128xf32, #tpu.memory_space<vmem>>, vector<16xf32>,
          %add3A_192 = arith.constant 32 : i32
          %add3A_193 = vector.broadcast %add3A_192 : i32 to vector<16xi32>
          %add3A_194 = arith.addi %add3A_193, %iota3A : vector<16xi32>
          tpu.vector_store_idx %arg15[%add3A_194, %broadcast_in_dim3A], %get3A_191 : memref<272x128xf32, #tpu.memory_space<vmem>>[vector<16xi32>, vector<16xi32>], vector<16xf32>,
          %get3A_195 = arith.index_cast %scan3A_177 : i32 to index
          %get3A_196 = arith.constant 16 : index
          %get3A_197 = tpu.vector_load %arg13[%get3A_195, %get3A_196] {strides = array<i32>} : memref<128x128xf32, #tpu.memory_space<vmem>>, vector<16xf32>,
          %add3A_198 = arith.constant 160 : i32
          %add3A_199 = vector.broadcast %add3A_198 : i32 to vector<16xi32>
          %add3A_200 = arith.addi %add3A_199, %iota3A : vector<16xi32>
          tpu.vector_store_idx %arg15[%add3A_200, %broadcast_in_dim3A], %get3A_197 : memref<272x128xf32, #tpu.memory_space<vmem>>[vector<16xi32>, vector<16xi32>], vector<16xf32>,
          %get3A_201 = arith.index_cast %scan3A_177 : i32 to index
          %get3A_202 = arith.constant 32 : index
          %get3A_203 = tpu.vector_load %arg12[%get3A_201, %get3A_202] {strides = array<i32>} : memref<128x128xf32, #tpu.memory_space<vmem>>, vector<16xf32>,
          %add3A_204 = arith.constant 48 : i32
          %add3A_205 = vector.broadcast %add3A_204 : i32 to vector<16xi32>
          %add3A_206 = arith.addi %add3A_205, %iota3A : vector<16xi32>
          tpu.vector_store_idx %arg15[%add3A_206, %broadcast_in_dim3A], %get3A_203 : memref<272x128xf32, #tpu.memory_space<vmem>>[vector<16xi32>, vector<16xi32>], vector<16xf32>,
          %get3A_207 = arith.index_cast %scan3A_177 : i32 to index
          %get3A_208 = arith.constant 32 : index
          %get3A_209 = tpu.vector_load %arg13[%get3A_207, %get3A_208] {strides = array<i32>} : memref<128x128xf32, #tpu.memory_space<vmem>>, vector<16xf32>,
          %add3A_210 = arith.constant 176 : i32
          %add3A_211 = vector.broadcast %add3A_210 : i32 to vector<16xi32>
          %add3A_212 = arith.addi %add3A_211, %iota3A : vector<16xi32>
          tpu.vector_store_idx %arg15[%add3A_212, %broadcast_in_dim3A], %get3A_209 : memref<272x128xf32, #tpu.memory_space<vmem>>[vector<16xi32>, vector<16xi32>], vector<16xf32>,
          %get3A_213 = arith.index_cast %scan3A_177 : i32 to index
          %get3A_214 = arith.constant 48 : index
          %get3A_215 = tpu.vector_load %arg12[%get3A_213, %get3A_214] {strides = array<i32>} : memref<128x128xf32, #tpu.memory_space<vmem>>, vector<16xf32>,
          %add3A_216 = arith.constant 64 : i32
          %add3A_217 = vector.broadcast %add3A_216 : i32 to vector<16xi32>
          %add3A_218 = arith.addi %add3A_217, %iota3A : vector<16xi32>
          tpu.vector_store_idx %arg15[%add3A_218, %broadcast_in_dim3A], %get3A_215 : memref<272x128xf32, #tpu.memory_space<vmem>>[vector<16xi32>, vector<16xi32>], vector<16xf32>,
          %get3A_219 = arith.index_cast %scan3A_177 : i32 to index
          %get3A_220 = arith.constant 48 : index
          %get3A_221 = tpu.vector_load %arg13[%get3A_219, %get3A_220] {strides = array<i32>} : memref<128x128xf32, #tpu.memory_space<vmem>>, vector<16xf32>,
          %add3A_222 = arith.constant 192 : i32
          %add3A_223 = vector.broadcast %add3A_222 : i32 to vector<16xi32>
          %add3A_224 = arith.addi %add3A_223, %iota3A : vector<16xi32>
          tpu.vector_store_idx %arg15[%add3A_224, %broadcast_in_dim3A], %get3A_221 : memref<272x128xf32, #tpu.memory_space<vmem>>[vector<16xi32>, vector<16xi32>], vector<16xf32>,
          %get3A_225 = arith.index_cast %scan3A_177 : i32 to index
          %get3A_226 = arith.constant 64 : index
          %get3A_227 = tpu.vector_load %arg12[%get3A_225, %get3A_226] {strides = array<i32>} : memref<128x128xf32, #tpu.memory_space<vmem>>, vector<16xf32>,
          %add3A_228 = arith.constant 80 : i32
          %add3A_229 = vector.broadcast %add3A_228 : i32 to vector<16xi32>
          %add3A_230 = arith.addi %add3A_229, %iota3A : vector<16xi32>
          tpu.vector_store_idx %arg15[%add3A_230, %broadcast_in_dim3A], %get3A_227 : memref<272x128xf32, #tpu.memory_space<vmem>>[vector<16xi32>, vector<16xi32>], vector<16xf32>,
          %get3A_231 = arith.index_cast %scan3A_177 : i32 to index
          %get3A_232 = arith.constant 64 : index
          %get3A_233 = tpu.vector_load %arg13[%get3A_231, %get3A_232] {strides = array<i32>} : memref<128x128xf32, #tpu.memory_space<vmem>>, vector<16xf32>,
          %add3A_234 = arith.constant 208 : i32
          %add3A_235 = vector.broadcast %add3A_234 : i32 to vector<16xi32>
          %add3A_236 = arith.addi %add3A_235, %iota3A : vector<16xi32>
          tpu.vector_store_idx %arg15[%add3A_236, %broadcast_in_dim3A], %get3A_233 : memref<272x128xf32, #tpu.memory_space<vmem>>[vector<16xi32>, vector<16xi32>], vector<16xf32>,
          %get3A_237 = arith.index_cast %scan3A_177 : i32 to index
          %get3A_238 = arith.constant 80 : index
          %get3A_239 = tpu.vector_load %arg12[%get3A_237, %get3A_238] {strides = array<i32>} : memref<128x128xf32, #tpu.memory_space<vmem>>, vector<16xf32>,
          %add3A_240 = arith.constant 96 : i32
          %add3A_241 = vector.broadcast %add3A_240 : i32 to vector<16xi32>
          %add3A_242 = arith.addi %add3A_241, %iota3A : vector<16xi32>
          tpu.vector_store_idx %arg15[%add3A_242, %broadcast_in_dim3A], %get3A_239 : memref<272x128xf32, #tpu.memory_space<vmem>>[vector<16xi32>, vector<16xi32>], vector<16xf32>,
          %get3A_243 = arith.index_cast %scan3A_177 : i32 to index
          %get3A_244 = arith.constant 80 : index
          %get3A_245 = tpu.vector_load %arg13[%get3A_243, %get3A_244] {strides = array<i32>} : memref<128x128xf32, #tpu.memory_space<vmem>>, vector<16xf32>,
          %add3A_246 = arith.constant 224 : i32
          %add3A_247 = vector.broadcast %add3A_246 : i32 to vector<16xi32>
          %add3A_248 = arith.addi %add3A_247, %iota3A : vector<16xi32>
          tpu.vector_store_idx %arg15[%add3A_248, %broadcast_in_dim3A], %get3A_245 : memref<272x128xf32, #tpu.memory_space<vmem>>[vector<16xi32>, vector<16xi32>], vector<16xf32>,
          %get3A_249 = arith.index_cast %scan3A_177 : i32 to index
          %get3A_250 = arith.constant 96 : index
          %get3A_251 = tpu.vector_load %arg12[%get3A_249, %get3A_250] {strides = array<i32>} : memref<128x128xf32, #tpu.memory_space<vmem>>, vector<16xf32>,
          %add3A_252 = arith.constant 112 : i32
          %add3A_253 = vector.broadcast %add3A_252 : i32 to vector<16xi32>
          %add3A_254 = arith.addi %add3A_253, %iota3A : vector<16xi32>
          tpu.vector_store_idx %arg15[%add3A_254, %broadcast_in_dim3A], %get3A_251 : memref<272x128xf32, #tpu.memory_space<vmem>>[vector<16xi32>, vector<16xi32>], vector<16xf32>,
          %get3A_255 = arith.index_cast %scan3A_177 : i32 to index
          %get3A_256 = arith.constant 96 : index
          %get3A_257 = tpu.vector_load %arg13[%get3A_255, %get3A_256] {strides = array<i32>} : memref<128x128xf32, #tpu.memory_space<vmem>>, vector<16xf32>,
          %add3A_258 = arith.constant 240 : i32
          %add3A_259 = vector.broadcast %add3A_258 : i32 to vector<16xi32>
          %add3A_260 = arith.addi %add3A_259, %iota3A : vector<16xi32>
          tpu.vector_store_idx %arg15[%add3A_260, %broadcast_in_dim3A], %get3A_257 : memref<272x128xf32, #tpu.memory_space<vmem>>[vector<16xi32>, vector<16xi32>], vector<16xf32>,
          %get3A_261 = arith.index_cast %scan3A_177 : i32 to index
          %get3A_262 = arith.constant 112 : index
          %get3A_263 = tpu.vector_load %arg12[%get3A_261, %get3A_262] {strides = array<i32>} : memref<128x128xf32, #tpu.memory_space<vmem>>, vector<16xf32>,
          %add3A_264 = arith.constant 128 : i32
          %add3A_265 = vector.broadcast %add3A_264 : i32 to vector<16xi32>
          %add3A_266 = arith.addi %add3A_265, %iota3A : vector<16xi32>
          tpu.vector_store_idx %arg15[%add3A_266, %broadcast_in_dim3A], %get3A_263 : memref<272x128xf32, #tpu.memory_space<vmem>>[vector<16xi32>, vector<16xi32>], vector<16xf32>,
          %get3A_267 = arith.index_cast %scan3A_177 : i32 to index
          %get3A_268 = arith.constant 112 : index
          %get3A_269 = tpu.vector_load %arg13[%get3A_267, %get3A_268] {strides = array<i32>} : memref<128x128xf32, #tpu.memory_space<vmem>>, vector<16xf32>,
          %add3A_270 = arith.constant 256 : i32
          %add3A_271 = vector.broadcast %add3A_270 : i32 to vector<16xi32>
          %add3A_272 = arith.addi %add3A_271, %iota3A : vector<16xi32>
          tpu.vector_store_idx %arg15[%add3A_272, %broadcast_in_dim3A], %get3A_269 : memref<272x128xf32, #tpu.memory_space<vmem>>[vector<16xi32>, vector<16xi32>], vector<16xf32>,
        }
        %scan3A_142 = arith.constant 128 : i32
        %add3A_143 = arith.constant 1 : i32
        %add3A_144 = arith.addi %while3A_69, %add3A_143 : i32
        %lt3A_145 = arith.cmpi slt, %add3A_144, %select_n3A : i32
        %convert_element_type3A_146 = arith.extui %lt3A_145 : i1 to i32
        %cond3A_147 = arith.constant 0 : i32
        %cond3A_148 = arith.cmpi ne, %convert_element_type3A_146, %cond3A_147 : i32
        scf.if %cond3A_148 {
          %add3A_177 = arith.constant 1 : i32
          %add3A_178 = arith.addi %while3A_69, %add3A_177 : i32
          %mul3A_179 = arith.constant 32 : i32
          %mul3A_180 = arith.muli %mul3A_179, %add3A_178 : i32
          %add3A_181 = arith.addi %add3A, %mul3A_180 : i32
          %mul3A_182 = arith.constant 128 : i32
          %mul3A_183 = arith.muli %add3A_181, %mul3A_182 : i32
          %dma_wait3A_184 = tpu.memref_slice %arg5[%mul3A_183] : memref<320000xi32, #tpu.memory_space<hbm>> -> memref<128xi32, #tpu.memory_space<hbm>>
          %dma_wait3A_185 = tpu.memref_slice %arg5[%mul3A_183] : memref<320000xi32, #tpu.memory_space<hbm>> -> memref<128xi32, #tpu.memory_space<hbm>>
          tpu.wait_dma2 semaphore(%arg18 : memref<!tpu.dma_semaphore, #tpu.memory_space<semaphore_mem>>) src(%dma_wait3A_185 : memref<128xi32, #tpu.memory_space<hbm>>) dst(%arg8 : memref<128xi32, #tpu.memory_space<vmem>>)
          %dma_wait3A_186 = tpu.memref_slice %arg6[%mul3A_183] : memref<320000xi32, #tpu.memory_space<hbm>> -> memref<128xi32, #tpu.memory_space<hbm>>
          %dma_wait3A_187 = tpu.memref_slice %arg6[%mul3A_183] : memref<320000xi32, #tpu.memory_space<hbm>> -> memref<128xi32, #tpu.memory_space<hbm>>
          tpu.wait_dma2 semaphore(%arg18 : memref<!tpu.dma_semaphore, #tpu.memory_space<semaphore_mem>>) src(%dma_wait3A_187 : memref<128xi32, #tpu.memory_space<hbm>>) dst(%arg10 : memref<128xi32, #tpu.memory_space<vmem>>)
          %dma_start3A_188 = arith.constant 0 : i32
          %dma_start3A_189 = arith.constant 0 : i32
          %dma_start3A_190 = tpu.memref_slice %arg3[%dma_start3A_188, %dma_start3A_189] : memref<10000x128xf32, #tpu.memory_space<hbm>> -> memref<10000x128xf32, #tpu.memory_space<hbm>>
          tpu.enqueue_indirect_dma source(%dma_start3A_190 : memref<10000x128xf32, #tpu.memory_space<hbm>>) target(%arg12 : memref<128x128xf32, #tpu.memory_space<vmem>>) offsets(%arg8 : memref<128xi32, #tpu.memory_space<vmem>>) semaphore(%arg19 : memref<!tpu.dma_semaphore, #tpu.memory_space<semaphore_mem>>)
          %dma_start3A_191 = arith.constant 0 : i32
          %dma_start3A_192 = arith.constant 0 : i32
          %dma_start3A_193 = tpu.memref_slice %arg3[%dma_start3A_191, %dma_start3A_192] : memref<10000x128xf32, #tpu.memory_space<hbm>> -> memref<10000x128xf32, #tpu.memory_space<hbm>>
          tpu.enqueue_indirect_dma source(%dma_start3A_193 : memref<10000x128xf32, #tpu.memory_space<hbm>>) target(%arg13 : memref<128x128xf32, #tpu.memory_space<vmem>>) offsets(%arg10 : memref<128xi32, #tpu.memory_space<vmem>>) semaphore(%arg19 : memref<!tpu.dma_semaphore, #tpu.memory_space<semaphore_mem>>)
        } else {
        }
        %mul3A_149 = arith.constant 32 : i32
        %mul3A_150 = arith.muli %mul3A_149, %while3A_69 : i32
        %add3A_151 = arith.addi %add3A, %mul3A_150 : i32
        %mul3A_152 = arith.constant 128 : i32
        %mul3A_153 = arith.muli %add3A_151, %mul3A_152 : i32
        %dma_wait3A_154 = arith.constant 0 : i32
        %dma_wait3A_155 = arith.constant 0 : i32
        %dma_wait3A_156 = tpu.memref_slice %arg15[%dma_wait3A_154, %dma_wait3A_155] : memref<272x128xf32, #tpu.memory_space<vmem>> -> memref<16x128xf32, #tpu.memory_space<vmem>>
        %dma_wait3A_157 = arith.constant 0 : i32
        %dma_wait3A_158 = tpu.memref_slice %arg2[%dma_wait3A_157, %mul3A_153] : memref<16x320000xf32, #tpu.memory_space<hbm>> -> memref<16x128xf32, #tpu.memory_space<hbm>>
        %dma_wait3A_159 = arith.constant 0 : i32
        %dma_wait3A_160 = arith.constant 0 : i32
        %dma_wait3A_161 = tpu.memref_slice %arg15[%dma_wait3A_159, %dma_wait3A_160] : memref<272x128xf32, #tpu.memory_space<vmem>> -> memref<16x128xf32, #tpu.memory_space<vmem>>
        %dma_wait3A_162 = arith.constant 0 : i32
        %dma_wait3A_163 = tpu.memref_slice %arg2[%dma_wait3A_162, %mul3A_153] : memref<16x320000xf32, #tpu.memory_space<hbm>> -> memref<16x128xf32, #tpu.memory_space<hbm>>
        tpu.wait_dma2 semaphore(%arg21 : memref<!tpu.dma_semaphore, #tpu.memory_space<semaphore_mem>>) src(%dma_wait3A_163 : memref<16x128xf32, #tpu.memory_space<hbm>>) dst(%dma_wait3A_161 : memref<16x128xf32, #tpu.memory_space<vmem>>)
        %mul3A_164 = arith.constant 32 : i32
        %mul3A_165 = arith.muli %mul3A_164, %while3A_69 : i32
        %add3A_166 = arith.addi %add3A, %mul3A_165 : i32
        %mul3A_167 = arith.constant 128 : i32
        %mul3A_168 = arith.muli %add3A_166, %mul3A_167 : i32
        %dma_start3A_169 = arith.constant 0 : i32
        %dma_start3A_170 = tpu.memref_slice %arg7[%dma_start3A_169, %mul3A_168] : memref<400x320000xf32, #tpu.memory_space<hbm>> -> memref<272x128xf32, #tpu.memory_space<hbm>>
        %dma_start3A_171 = arith.constant 0 : i32
        %dma_start3A_172 = tpu.memref_slice %arg7[%dma_start3A_171, %mul3A_168] : memref<400x320000xf32, #tpu.memory_space<hbm>> -> memref<272x128xf32, #tpu.memory_space<hbm>>
        tpu.enqueue_dma source(%arg15 : memref<272x128xf32, #tpu.memory_space<vmem>>) target(%dma_start3A_172 : memref<272x128xf32, #tpu.memory_space<hbm>>) target_semaphore(%arg23 : memref<!tpu.dma_semaphore, #tpu.memory_space<semaphore_mem>>)
        %dma_start3A_173 = arith.constant 272 : i32
        %dma_start3A_174 = tpu.memref_slice %arg7[%dma_start3A_173, %mul3A_168] : memref<400x320000xf32, #tpu.memory_space<hbm>> -> memref<128x128xf32, #tpu.memory_space<hbm>>
        %dma_start3A_175 = arith.constant 272 : i32
        %dma_start3A_176 = tpu.memref_slice %arg7[%dma_start3A_175, %mul3A_168] : memref<400x320000xf32, #tpu.memory_space<hbm>> -> memref<128x128xf32, #tpu.memory_space<hbm>>
        tpu.enqueue_dma source(%arg16 : memref<128x128xf32, #tpu.memory_space<vmem>>) target(%dma_start3A_176 : memref<128x128xf32, #tpu.memory_space<hbm>>) target_semaphore(%arg23 : memref<!tpu.dma_semaphore, #tpu.memory_space<semaphore_mem>>)
      } else {
      }
    }
    %while3A_40 = arith.constant 1 : i32
    scf.for %while3A_69 = %while3A_38 to %while3A_34 step %while3A_40  : i32 {
      %jit3A_70 = arith.constant 2 : i32
      %eq3A = arith.constant 0 : i32
      %eq3A_71 = arith.cmpi eq, %jit3A_70, %eq3A : i32
      %jit3A_72 = arith.constant 1 : i32
      %select_n3A_73 = arith.select %eq3A_71, %jit3A_72, %jit3A_70 : i32
      %rem3A = arith.remsi %while3A_69, %select_n3A_73 : i32
      %ne3A = arith.constant 0 : i32
      %ne3A_74 = arith.cmpi ne, %rem3A, %ne3A : i32
      %lt3A_75 = arith.constant 0 : i32
      %lt3A_76 = arith.cmpi slt, %rem3A, %lt3A_75 : i32
      %lt3A_77 = arith.constant 0 : i32
      %lt3A_78 = arith.cmpi slt, %select_n3A_73, %lt3A_77 : i32
      %ne3A_79 = arith.xori %lt3A_76, %lt3A_78 : i1
      %and3A = arith.andi %ne3A_79, %ne3A_74 : i1
      %add3A_80 = arith.addi %rem3A, %select_n3A_73 : i32
      %select_n3A_81 = arith.select %and3A, %add3A_80, %rem3A : i32
      %eq3A_82 = arith.constant 0 : i32
      %eq3A_83 = arith.cmpi eq, %select_n3A_81, %eq3A_82 : i32
      %convert_element_type3A = arith.extui %eq3A_83 : i1 to i32
      %cond3A = arith.constant 0 : i32
      %cond3A_84 = arith.cmpi ne, %convert_element_type3A, %cond3A : i32
      scf.if %cond3A_84 {
        %ge3A = arith.constant 2 : i32
        %ge3A_106 = arith.cmpi sge, %while3A_69, %ge3A : i32
        %convert_element_type3A_107 = arith.extui %ge3A_106 : i1 to i32
        %cond3A_108 = arith.constant 0 : i32
        %cond3A_109 = arith.cmpi ne, %convert_element_type3A_107, %cond3A_108 : i32
        scf.if %cond3A_109 {
          %mul3A_177 = arith.constant 32 : i32
          %mul3A_178 = arith.muli %mul3A_177, %while3A_69 : i32
          %add3A_179 = arith.addi %add3A, %mul3A_178 : i32
          %mul3A_180 = arith.constant 128 : i32
          %mul3A_181 = arith.muli %add3A_179, %mul3A_180 : i32
          %dma_wait3A_182 = arith.constant 0 : i32
          %dma_wait3A_183 = tpu.memref_slice %arg7[%dma_wait3A_182, %mul3A_181] : memref<400x320000xf32, #tpu.memory_space<hbm>> -> memref<272x128xf32, #tpu.memory_space<hbm>>
          %dma_wait3A_184 = arith.constant 0 : i32
          %dma_wait3A_185 = tpu.memref_slice %arg7[%dma_wait3A_184, %mul3A_181] : memref<400x320000xf32, #tpu.memory_space<hbm>> -> memref<272x128xf32, #tpu.memory_space<hbm>>
          tpu.wait_dma2 semaphore(%arg22 : memref<!tpu.dma_semaphore, #tpu.memory_space<semaphore_mem>>) src(%arg14 : memref<272x128xf32, #tpu.memory_space<vmem>>) dst(%dma_wait3A_185 : memref<272x128xf32, #tpu.memory_space<hbm>>)
          %dma_wait3A_186 = arith.constant 272 : i32
          %dma_wait3A_187 = tpu.memref_slice %arg7[%dma_wait3A_186, %mul3A_181] : memref<400x320000xf32, #tpu.memory_space<hbm>> -> memref<128x128xf32, #tpu.memory_space<hbm>>
          %dma_wait3A_188 = arith.constant 272 : i32
          %dma_wait3A_189 = tpu.memref_slice %arg7[%dma_wait3A_188, %mul3A_181] : memref<400x320000xf32, #tpu.memory_space<hbm>> -> memref<128x128xf32, #tpu.memory_space<hbm>>
          tpu.wait_dma2 semaphore(%arg22 : memref<!tpu.dma_semaphore, #tpu.memory_space<semaphore_mem>>) src(%arg16 : memref<128x128xf32, #tpu.memory_space<vmem>>) dst(%dma_wait3A_189 : memref<128x128xf32, #tpu.memory_space<hbm>>)
        } else {
        }
        %add3A_110 = arith.constant 1 : i32
        %add3A_111 = arith.addi %while3A_69, %add3A_110 : i32
        %lt3A_112 = arith.cmpi slt, %add3A_111, %select_n3A : i32
        %convert_element_type3A_113 = arith.extui %lt3A_112 : i1 to i32
        %cond3A_114 = arith.constant 0 : i32
        %cond3A_115 = arith.cmpi ne, %convert_element_type3A_113, %cond3A_114 : i32
        scf.if %cond3A_115 {
          %add3A_177 = arith.constant 1 : i32
          %add3A_178 = arith.addi %while3A_69, %add3A_177 : i32
          %mul3A_179 = arith.constant 32 : i32
          %mul3A_180 = arith.muli %mul3A_179, %add3A_178 : i32
          %add3A_181 = arith.addi %add3A, %mul3A_180 : i32
          %mul3A_182 = arith.constant 128 : i32
          %mul3A_183 = arith.muli %add3A_181, %mul3A_182 : i32
          %dma_start3A_184 = tpu.memref_slice %arg5[%mul3A_183] : memref<320000xi32, #tpu.memory_space<hbm>> -> memref<128xi32, #tpu.memory_space<hbm>>
          %dma_start3A_185 = tpu.memref_slice %arg5[%mul3A_183] : memref<320000xi32, #tpu.memory_space<hbm>> -> memref<128xi32, #tpu.memory_space<hbm>>
          tpu.enqueue_dma source(%dma_start3A_185 : memref<128xi32, #tpu.memory_space<hbm>>) target(%arg9 : memref<128xi32, #tpu.memory_space<vmem>>) target_semaphore(%arg18 : memref<!tpu.dma_semaphore, #tpu.memory_space<semaphore_mem>>)
          %dma_start3A_186 = tpu.memref_slice %arg6[%mul3A_183] : memref<320000xi32, #tpu.memory_space<hbm>> -> memref<128xi32, #tpu.memory_space<hbm>>
          %dma_start3A_187 = tpu.memref_slice %arg6[%mul3A_183] : memref<320000xi32, #tpu.memory_space<hbm>> -> memref<128xi32, #tpu.memory_space<hbm>>
          tpu.enqueue_dma source(%dma_start3A_187 : memref<128xi32, #tpu.memory_space<hbm>>) target(%arg11 : memref<128xi32, #tpu.memory_space<vmem>>) target_semaphore(%arg18 : memref<!tpu.dma_semaphore, #tpu.memory_space<semaphore_mem>>)
        } else {
        }
        %mul3A_116 = arith.constant 32 : i32
        %mul3A_117 = arith.muli %mul3A_116, %while3A_69 : i32
        %add3A_118 = arith.addi %add3A, %mul3A_117 : i32
        %mul3A_119 = arith.constant 128 : i32
        %mul3A_120 = arith.muli %add3A_118, %mul3A_119 : i32
        %dma_start3A_121 = arith.constant 0 : i32
        %dma_start3A_122 = arith.constant 0 : i32
        %dma_start3A_123 = tpu.memref_slice %arg14[%dma_start3A_121, %dma_start3A_122] : memref<272x128xf32, #tpu.memory_space<vmem>> -> memref<16x128xf32, #tpu.memory_space<vmem>>
        %dma_start3A_124 = arith.constant 0 : i32
        %dma_start3A_125 = tpu.memref_slice %arg2[%dma_start3A_124, %mul3A_120] : memref<16x320000xf32, #tpu.memory_space<hbm>> -> memref<16x128xf32, #tpu.memory_space<hbm>>
        %dma_start3A_126 = arith.constant 0 : i32
        %dma_start3A_127 = arith.constant 0 : i32
        %dma_start3A_128 = tpu.memref_slice %arg14[%dma_start3A_126, %dma_start3A_127] : memref<272x128xf32, #tpu.memory_space<vmem>> -> memref<16x128xf32, #tpu.memory_space<vmem>>
        %dma_start3A_129 = arith.constant 0 : i32
        %dma_start3A_130 = tpu.memref_slice %arg2[%dma_start3A_129, %mul3A_120] : memref<16x320000xf32, #tpu.memory_space<hbm>> -> memref<16x128xf32, #tpu.memory_space<hbm>>
        tpu.enqueue_dma source(%dma_start3A_130 : memref<16x128xf32, #tpu.memory_space<hbm>>) target(%dma_start3A_128 : memref<16x128xf32, #tpu.memory_space<vmem>>) target_semaphore(%arg20 : memref<!tpu.dma_semaphore, #tpu.memory_space<semaphore_mem>>)
        %dma_wait3A_131 = arith.constant 0 : i32
        %dma_wait3A_132 = arith.constant 0 : i32
        %dma_wait3A_133 = tpu.memref_slice %arg3[%dma_wait3A_131, %dma_wait3A_132] : memref<10000x128xf32, #tpu.memory_space<hbm>> -> memref<10000x128xf32, #tpu.memory_space<hbm>>
        tpu.wait_indirect_dma semaphore(%arg19 : memref<!tpu.dma_semaphore, #tpu.memory_space<semaphore_mem>>) src(%dma_wait3A_133 : memref<10000x128xf32, #tpu.memory_space<hbm>>) dst(%arg12 : memref<128x128xf32, #tpu.memory_space<vmem>>)
        %dma_wait3A_134 = arith.constant 0 : i32
        %dma_wait3A_135 = arith.constant 0 : i32
        %dma_wait3A_136 = tpu.memref_slice %arg3[%dma_wait3A_134, %dma_wait3A_135] : memref<10000x128xf32, #tpu.memory_space<hbm>> -> memref<10000x128xf32, #tpu.memory_space<hbm>>
        tpu.wait_indirect_dma semaphore(%arg19 : memref<!tpu.dma_semaphore, #tpu.memory_space<semaphore_mem>>) src(%dma_wait3A_136 : memref<10000x128xf32, #tpu.memory_space<hbm>>) dst(%arg13 : memref<128x128xf32, #tpu.memory_space<vmem>>)
        %scan3A_137 = arith.constant 0 : i32
        %scan3A_138 = arith.constant 0 : i32
        %scan3A_139 = arith.constant 128 : i32
        %scan3A_140 = arith.addi %scan3A_138, %scan3A_139 : i32
        %scan3A_141 = arith.constant 1 : i32
        scf.for %scan3A_177 = %scan3A_138 to %scan3A_140 step %scan3A_141  : i32 {
          %broadcast_in_dim3A = vector.broadcast %scan3A_177 : i32 to vector<16xi32>
          %get3A = arith.index_cast %scan3A_177 : i32 to index
          %get3A_178 = arith.constant 0 : index
          %get3A_179 = tpu.vector_load %arg12[%get3A, %get3A_178] {strides = array<i32>} : memref<128x128xf32, #tpu.memory_space<vmem>>, vector<16xf32>,
          %add3A_180 = arith.constant 16 : i32
          %add3A_181 = vector.broadcast %add3A_180 : i32 to vector<16xi32>
          %add3A_182 = arith.addi %add3A_181, %iota3A : vector<16xi32>
          tpu.vector_store_idx %arg14[%add3A_182, %broadcast_in_dim3A], %get3A_179 : memref<272x128xf32, #tpu.memory_space<vmem>>[vector<16xi32>, vector<16xi32>], vector<16xf32>,
          %get3A_183 = arith.index_cast %scan3A_177 : i32 to index
          %get3A_184 = arith.constant 0 : index
          %get3A_185 = tpu.vector_load %arg13[%get3A_183, %get3A_184] {strides = array<i32>} : memref<128x128xf32, #tpu.memory_space<vmem>>, vector<16xf32>,
          %add3A_186 = arith.constant 144 : i32
          %add3A_187 = vector.broadcast %add3A_186 : i32 to vector<16xi32>
          %add3A_188 = arith.addi %add3A_187, %iota3A : vector<16xi32>
          tpu.vector_store_idx %arg14[%add3A_188, %broadcast_in_dim3A], %get3A_185 : memref<272x128xf32, #tpu.memory_space<vmem>>[vector<16xi32>, vector<16xi32>], vector<16xf32>,
          %get3A_189 = arith.index_cast %scan3A_177 : i32 to index
          %get3A_190 = arith.constant 16 : index
          %get3A_191 = tpu.vector_load %arg12[%get3A_189, %get3A_190] {strides = array<i32>} : memref<128x128xf32, #tpu.memory_space<vmem>>, vector<16xf32>,
          %add3A_192 = arith.constant 32 : i32
          %add3A_193 = vector.broadcast %add3A_192 : i32 to vector<16xi32>
          %add3A_194 = arith.addi %add3A_193, %iota3A : vector<16xi32>
          tpu.vector_store_idx %arg14[%add3A_194, %broadcast_in_dim3A], %get3A_191 : memref<272x128xf32, #tpu.memory_space<vmem>>[vector<16xi32>, vector<16xi32>], vector<16xf32>,
          %get3A_195 = arith.index_cast %scan3A_177 : i32 to index
          %get3A_196 = arith.constant 16 : index
          %get3A_197 = tpu.vector_load %arg13[%get3A_195, %get3A_196] {strides = array<i32>} : memref<128x128xf32, #tpu.memory_space<vmem>>, vector<16xf32>,
          %add3A_198 = arith.constant 160 : i32
          %add3A_199 = vector.broadcast %add3A_198 : i32 to vector<16xi32>
          %add3A_200 = arith.addi %add3A_199, %iota3A : vector<16xi32>
          tpu.vector_store_idx %arg14[%add3A_200, %broadcast_in_dim3A], %get3A_197 : memref<272x128xf32, #tpu.memory_space<vmem>>[vector<16xi32>, vector<16xi32>], vector<16xf32>,
          %get3A_201 = arith.index_cast %scan3A_177 : i32 to index
          %get3A_202 = arith.constant 32 : index
          %get3A_203 = tpu.vector_load %arg12[%get3A_201, %get3A_202] {strides = array<i32>} : memref<128x128xf32, #tpu.memory_space<vmem>>, vector<16xf32>,
          %add3A_204 = arith.constant 48 : i32
          %add3A_205 = vector.broadcast %add3A_204 : i32 to vector<16xi32>
          %add3A_206 = arith.addi %add3A_205, %iota3A : vector<16xi32>
          tpu.vector_store_idx %arg14[%add3A_206, %broadcast_in_dim3A], %get3A_203 : memref<272x128xf32, #tpu.memory_space<vmem>>[vector<16xi32>, vector<16xi32>], vector<16xf32>,
          %get3A_207 = arith.index_cast %scan3A_177 : i32 to index
          %get3A_208 = arith.constant 32 : index
          %get3A_209 = tpu.vector_load %arg13[%get3A_207, %get3A_208] {strides = array<i32>} : memref<128x128xf32, #tpu.memory_space<vmem>>, vector<16xf32>,
          %add3A_210 = arith.constant 176 : i32
          %add3A_211 = vector.broadcast %add3A_210 : i32 to vector<16xi32>
          %add3A_212 = arith.addi %add3A_211, %iota3A : vector<16xi32>
          tpu.vector_store_idx %arg14[%add3A_212, %broadcast_in_dim3A], %get3A_209 : memref<272x128xf32, #tpu.memory_space<vmem>>[vector<16xi32>, vector<16xi32>], vector<16xf32>,
          %get3A_213 = arith.index_cast %scan3A_177 : i32 to index
          %get3A_214 = arith.constant 48 : index
          %get3A_215 = tpu.vector_load %arg12[%get3A_213, %get3A_214] {strides = array<i32>} : memref<128x128xf32, #tpu.memory_space<vmem>>, vector<16xf32>,
          %add3A_216 = arith.constant 64 : i32
          %add3A_217 = vector.broadcast %add3A_216 : i32 to vector<16xi32>
          %add3A_218 = arith.addi %add3A_217, %iota3A : vector<16xi32>
          tpu.vector_store_idx %arg14[%add3A_218, %broadcast_in_dim3A], %get3A_215 : memref<272x128xf32, #tpu.memory_space<vmem>>[vector<16xi32>, vector<16xi32>], vector<16xf32>,
          %get3A_219 = arith.index_cast %scan3A_177 : i32 to index
          %get3A_220 = arith.constant 48 : index
          %get3A_221 = tpu.vector_load %arg13[%get3A_219, %get3A_220] {strides = array<i32>} : memref<128x128xf32, #tpu.memory_space<vmem>>, vector<16xf32>,
          %add3A_222 = arith.constant 192 : i32
          %add3A_223 = vector.broadcast %add3A_222 : i32 to vector<16xi32>
          %add3A_224 = arith.addi %add3A_223, %iota3A : vector<16xi32>
          tpu.vector_store_idx %arg14[%add3A_224, %broadcast_in_dim3A], %get3A_221 : memref<272x128xf32, #tpu.memory_space<vmem>>[vector<16xi32>, vector<16xi32>], vector<16xf32>,
          %get3A_225 = arith.index_cast %scan3A_177 : i32 to index
          %get3A_226 = arith.constant 64 : index
          %get3A_227 = tpu.vector_load %arg12[%get3A_225, %get3A_226] {strides = array<i32>} : memref<128x128xf32, #tpu.memory_space<vmem>>, vector<16xf32>,
          %add3A_228 = arith.constant 80 : i32
          %add3A_229 = vector.broadcast %add3A_228 : i32 to vector<16xi32>
          %add3A_230 = arith.addi %add3A_229, %iota3A : vector<16xi32>
          tpu.vector_store_idx %arg14[%add3A_230, %broadcast_in_dim3A], %get3A_227 : memref<272x128xf32, #tpu.memory_space<vmem>>[vector<16xi32>, vector<16xi32>], vector<16xf32>,
          %get3A_231 = arith.index_cast %scan3A_177 : i32 to index
          %get3A_232 = arith.constant 64 : index
          %get3A_233 = tpu.vector_load %arg13[%get3A_231, %get3A_232] {strides = array<i32>} : memref<128x128xf32, #tpu.memory_space<vmem>>, vector<16xf32>,
          %add3A_234 = arith.constant 208 : i32
          %add3A_235 = vector.broadcast %add3A_234 : i32 to vector<16xi32>
          %add3A_236 = arith.addi %add3A_235, %iota3A : vector<16xi32>
          tpu.vector_store_idx %arg14[%add3A_236, %broadcast_in_dim3A], %get3A_233 : memref<272x128xf32, #tpu.memory_space<vmem>>[vector<16xi32>, vector<16xi32>], vector<16xf32>,
          %get3A_237 = arith.index_cast %scan3A_177 : i32 to index
          %get3A_238 = arith.constant 80 : index
          %get3A_239 = tpu.vector_load %arg12[%get3A_237, %get3A_238] {strides = array<i32>} : memref<128x128xf32, #tpu.memory_space<vmem>>, vector<16xf32>,
          %add3A_240 = arith.constant 96 : i32
          %add3A_241 = vector.broadcast %add3A_240 : i32 to vector<16xi32>
          %add3A_242 = arith.addi %add3A_241, %iota3A : vector<16xi32>
          tpu.vector_store_idx %arg14[%add3A_242, %broadcast_in_dim3A], %get3A_239 : memref<272x128xf32, #tpu.memory_space<vmem>>[vector<16xi32>, vector<16xi32>], vector<16xf32>,
          %get3A_243 = arith.index_cast %scan3A_177 : i32 to index
          %get3A_244 = arith.constant 80 : index
          %get3A_245 = tpu.vector_load %arg13[%get3A_243, %get3A_244] {strides = array<i32>} : memref<128x128xf32, #tpu.memory_space<vmem>>, vector<16xf32>,
          %add3A_246 = arith.constant 224 : i32
          %add3A_247 = vector.broadcast %add3A_246 : i32 to vector<16xi32>
          %add3A_248 = arith.addi %add3A_247, %iota3A : vector<16xi32>
          tpu.vector_store_idx %arg14[%add3A_248, %broadcast_in_dim3A], %get3A_245 : memref<272x128xf32, #tpu.memory_space<vmem>>[vector<16xi32>, vector<16xi32>], vector<16xf32>,
          %get3A_249 = arith.index_cast %scan3A_177 : i32 to index
          %get3A_250 = arith.constant 96 : index
          %get3A_251 = tpu.vector_load %arg12[%get3A_249, %get3A_250] {strides = array<i32>} : memref<128x128xf32, #tpu.memory_space<vmem>>, vector<16xf32>,
          %add3A_252 = arith.constant 112 : i32
          %add3A_253 = vector.broadcast %add3A_252 : i32 to vector<16xi32>
          %add3A_254 = arith.addi %add3A_253, %iota3A : vector<16xi32>
          tpu.vector_store_idx %arg14[%add3A_254, %broadcast_in_dim3A], %get3A_251 : memref<272x128xf32, #tpu.memory_space<vmem>>[vector<16xi32>, vector<16xi32>], vector<16xf32>,
          %get3A_255 = arith.index_cast %scan3A_177 : i32 to index
          %get3A_256 = arith.constant 96 : index
          %get3A_257 = tpu.vector_load %arg13[%get3A_255, %get3A_256] {strides = array<i32>} : memref<128x128xf32, #tpu.memory_space<vmem>>, vector<16xf32>,
          %add3A_258 = arith.constant 240 : i32
          %add3A_259 = vector.broadcast %add3A_258 : i32 to vector<16xi32>
          %add3A_260 = arith.addi %add3A_259, %iota3A : vector<16xi32>
          tpu.vector_store_idx %arg14[%add3A_260, %broadcast_in_dim3A], %get3A_257 : memref<272x128xf32, #tpu.memory_space<vmem>>[vector<16xi32>, vector<16xi32>], vector<16xf32>,
          %get3A_261 = arith.index_cast %scan3A_177 : i32 to index
          %get3A_262 = arith.constant 112 : index
          %get3A_263 = tpu.vector_load %arg12[%get3A_261, %get3A_262] {strides = array<i32>} : memref<128x128xf32, #tpu.memory_space<vmem>>, vector<16xf32>,
          %add3A_264 = arith.constant 128 : i32
          %add3A_265 = vector.broadcast %add3A_264 : i32 to vector<16xi32>
          %add3A_266 = arith.addi %add3A_265, %iota3A : vector<16xi32>
          tpu.vector_store_idx %arg14[%add3A_266, %broadcast_in_dim3A], %get3A_263 : memref<272x128xf32, #tpu.memory_space<vmem>>[vector<16xi32>, vector<16xi32>], vector<16xf32>,
          %get3A_267 = arith.index_cast %scan3A_177 : i32 to index
          %get3A_268 = arith.constant 112 : index
          %get3A_269 = tpu.vector_load %arg13[%get3A_267, %get3A_268] {strides = array<i32>} : memref<128x128xf32, #tpu.memory_space<vmem>>, vector<16xf32>,
          %add3A_270 = arith.constant 256 : i32
          %add3A_271 = vector.broadcast %add3A_270 : i32 to vector<16xi32>
          %add3A_272 = arith.addi %add3A_271, %iota3A : vector<16xi32>
          tpu.vector_store_idx %arg14[%add3A_272, %broadcast_in_dim3A], %get3A_269 : memref<272x128xf32, #tpu.memory_space<vmem>>[vector<16xi32>, vector<16xi32>], vector<16xf32>,
        }
        %scan3A_142 = arith.constant 128 : i32
        %add3A_143 = arith.constant 1 : i32
        %add3A_144 = arith.addi %while3A_69, %add3A_143 : i32
        %lt3A_145 = arith.cmpi slt, %add3A_144, %select_n3A : i32
        %convert_element_type3A_146 = arith.extui %lt3A_145 : i1 to i32
        %cond3A_147 = arith.constant 0 : i32
        %cond3A_148 = arith.cmpi ne, %convert_element_type3A_146, %cond3A_147 : i32
        scf.if %cond3A_148 {
          %add3A_177 = arith.constant 1 : i32
          %add3A_178 = arith.addi %while3A_69, %add3A_177 : i32
          %mul3A_179 = arith.constant 32 : i32
          %mul3A_180 = arith.muli %mul3A_179, %add3A_178 : i32
          %add3A_181 = arith.addi %add3A, %mul3A_180 : i32
          %mul3A_182 = arith.constant 128 : i32
          %mul3A_183 = arith.muli %add3A_181, %mul3A_182 : i32
          %dma_wait3A_184 = tpu.memref_slice %arg5[%mul3A_183] : memref<320000xi32, #tpu.memory_space<hbm>> -> memref<128xi32, #tpu.memory_space<hbm>>
          %dma_wait3A_185 = tpu.memref_slice %arg5[%mul3A_183] : memref<320000xi32, #tpu.memory_space<hbm>> -> memref<128xi32, #tpu.memory_space<hbm>>
          tpu.wait_dma2 semaphore(%arg18 : memref<!tpu.dma_semaphore, #tpu.memory_space<semaphore_mem>>) src(%dma_wait3A_185 : memref<128xi32, #tpu.memory_space<hbm>>) dst(%arg9 : memref<128xi32, #tpu.memory_space<vmem>>)
          %dma_wait3A_186 = tpu.memref_slice %arg6[%mul3A_183] : memref<320000xi32, #tpu.memory_space<hbm>> -> memref<128xi32, #tpu.memory_space<hbm>>
          %dma_wait3A_187 = tpu.memref_slice %arg6[%mul3A_183] : memref<320000xi32, #tpu.memory_space<hbm>> -> memref<128xi32, #tpu.memory_space<hbm>>
          tpu.wait_dma2 semaphore(%arg18 : memref<!tpu.dma_semaphore, #tpu.memory_space<semaphore_mem>>) src(%dma_wait3A_187 : memref<128xi32, #tpu.memory_space<hbm>>) dst(%arg11 : memref<128xi32, #tpu.memory_space<vmem>>)
          %dma_start3A_188 = arith.constant 0 : i32
          %dma_start3A_189 = arith.constant 0 : i32
          %dma_start3A_190 = tpu.memref_slice %arg3[%dma_start3A_188, %dma_start3A_189] : memref<10000x128xf32, #tpu.memory_space<hbm>> -> memref<10000x128xf32, #tpu.memory_space<hbm>>
          tpu.enqueue_indirect_dma source(%dma_start3A_190 : memref<10000x128xf32, #tpu.memory_space<hbm>>) target(%arg12 : memref<128x128xf32, #tpu.memory_space<vmem>>) offsets(%arg9 : memref<128xi32, #tpu.memory_space<vmem>>) semaphore(%arg19 : memref<!tpu.dma_semaphore, #tpu.memory_space<semaphore_mem>>)
          %dma_start3A_191 = arith.constant 0 : i32
          %dma_start3A_192 = arith.constant 0 : i32
          %dma_start3A_193 = tpu.memref_slice %arg3[%dma_start3A_191, %dma_start3A_192] : memref<10000x128xf32, #tpu.memory_space<hbm>> -> memref<10000x128xf32, #tpu.memory_space<hbm>>
          tpu.enqueue_indirect_dma source(%dma_start3A_193 : memref<10000x128xf32, #tpu.memory_space<hbm>>) target(%arg13 : memref<128x128xf32, #tpu.memory_space<vmem>>) offsets(%arg11 : memref<128xi32, #tpu.memory_space<vmem>>) semaphore(%arg19 : memref<!tpu.dma_semaphore, #tpu.memory_space<semaphore_mem>>)
        } else {
        }
        %mul3A_149 = arith.constant 32 : i32
        %mul3A_150 = arith.muli %mul3A_149, %while3A_69 : i32
        %add3A_151 = arith.addi %add3A, %mul3A_150 : i32
        %mul3A_152 = arith.constant 128 : i32
        %mul3A_153 = arith.muli %add3A_151, %mul3A_152 : i32
        %dma_wait3A_154 = arith.constant 0 : i32
        %dma_wait3A_155 = arith.constant 0 : i32
        %dma_wait3A_156 = tpu.memref_slice %arg14[%dma_wait3A_154, %dma_wait3A_155] : memref<272x128xf32, #tpu.memory_space<vmem>> -> memref<16x128xf32, #tpu.memory_space<vmem>>
        %dma_wait3A_157 = arith.constant 0 : i32
        %dma_wait3A_158 = tpu.memref_slice %arg2[%dma_wait3A_157, %mul3A_153] : memref<16x320000xf32, #tpu.memory_space<hbm>> -> memref<16x128xf32, #tpu.memory_space<hbm>>
        %dma_wait3A_159 = arith.constant 0 : i32
        %dma_wait3A_160 = arith.constant 0 : i32
        %dma_wait3A_161 = tpu.memref_slice %arg14[%dma_wait3A_159, %dma_wait3A_160] : memref<272x128xf32, #tpu.memory_space<vmem>> -> memref<16x128xf32, #tpu.memory_space<vmem>>
        %dma_wait3A_162 = arith.constant 0 : i32
        %dma_wait3A_163 = tpu.memref_slice %arg2[%dma_wait3A_162, %mul3A_153] : memref<16x320000xf32, #tpu.memory_space<hbm>> -> memref<16x128xf32, #tpu.memory_space<hbm>>
        tpu.wait_dma2 semaphore(%arg20 : memref<!tpu.dma_semaphore, #tpu.memory_space<semaphore_mem>>) src(%dma_wait3A_163 : memref<16x128xf32, #tpu.memory_space<hbm>>) dst(%dma_wait3A_161 : memref<16x128xf32, #tpu.memory_space<vmem>>)
        %mul3A_164 = arith.constant 32 : i32
        %mul3A_165 = arith.muli %mul3A_164, %while3A_69 : i32
        %add3A_166 = arith.addi %add3A, %mul3A_165 : i32
        %mul3A_167 = arith.constant 128 : i32
        %mul3A_168 = arith.muli %add3A_166, %mul3A_167 : i32
        %dma_start3A_169 = arith.constant 0 : i32
        %dma_start3A_170 = tpu.memref_slice %arg7[%dma_start3A_169, %mul3A_168] : memref<400x320000xf32, #tpu.memory_space<hbm>> -> memref<272x128xf32, #tpu.memory_space<hbm>>
        %dma_start3A_171 = arith.constant 0 : i32
        %dma_start3A_172 = tpu.memref_slice %arg7[%dma_start3A_171, %mul3A_168] : memref<400x320000xf32, #tpu.memory_space<hbm>> -> memref<272x128xf32, #tpu.memory_space<hbm>>
        tpu.enqueue_dma source(%arg14 : memref<272x128xf32, #tpu.memory_space<vmem>>) target(%dma_start3A_172 : memref<272x128xf32, #tpu.memory_space<hbm>>) target_semaphore(%arg22 : memref<!tpu.dma_semaphore, #tpu.memory_space<semaphore_mem>>)
        %dma_start3A_173 = arith.constant 272 : i32
        %dma_start3A_174 = tpu.memref_slice %arg7[%dma_start3A_173, %mul3A_168] : memref<400x320000xf32, #tpu.memory_space<hbm>> -> memref<128x128xf32, #tpu.memory_space<hbm>>
        %dma_start3A_175 = arith.constant 272 : i32
        %dma_start3A_176 = tpu.memref_slice %arg7[%dma_start3A_175, %mul3A_168] : memref<400x320000xf32, #tpu.memory_space<hbm>> -> memref<128x128xf32, #tpu.memory_space<hbm>>
        tpu.enqueue_dma source(%arg16 : memref<128x128xf32, #tpu.memory_space<vmem>>) target(%dma_start3A_176 : memref<128x128xf32, #tpu.memory_space<hbm>>) target_semaphore(%arg22 : memref<!tpu.dma_semaphore, #tpu.memory_space<semaphore_mem>>)
      } else {
      }
      %jit3A_85 = arith.constant 2 : i32
      %eq3A_86 = arith.constant 0 : i32
      %eq3A_87 = arith.cmpi eq, %jit3A_85, %eq3A_86 : i32
      %jit3A_88 = arith.constant 1 : i32
      %select_n3A_89 = arith.select %eq3A_87, %jit3A_88, %jit3A_85 : i32
      %rem3A_90 = arith.remsi %while3A_69, %select_n3A_89 : i32
      %ne3A_91 = arith.constant 0 : i32
      %ne3A_92 = arith.cmpi ne, %rem3A_90, %ne3A_91 : i32
      %lt3A_93 = arith.constant 0 : i32
      %lt3A_94 = arith.cmpi slt, %rem3A_90, %lt3A_93 : i32
      %lt3A_95 = arith.constant 0 : i32
      %lt3A_96 = arith.cmpi slt, %select_n3A_89, %lt3A_95 : i32
      %ne3A_97 = arith.xori %lt3A_94, %lt3A_96 : i1
      %and3A_98 = arith.andi %ne3A_97, %ne3A_92 : i1
      %add3A_99 = arith.addi %rem3A_90, %select_n3A_89 : i32
      %select_n3A_100 = arith.select %and3A_98, %add3A_99, %rem3A_90 : i32
      %eq3A_101 = arith.constant 1 : i32
      %eq3A_102 = arith.cmpi eq, %select_n3A_100, %eq3A_101 : i32
      %convert_element_type3A_103 = arith.extui %eq3A_102 : i1 to i32
      %cond3A_104 = arith.constant 0 : i32
      %cond3A_105 = arith.cmpi ne, %convert_element_type3A_103, %cond3A_104 : i32
      scf.if %cond3A_105 {
        %ge3A = arith.constant 2 : i32
        %ge3A_106 = arith.cmpi sge, %while3A_69, %ge3A : i32
        %convert_element_type3A_107 = arith.extui %ge3A_106 : i1 to i32
        %cond3A_108 = arith.constant 0 : i32
        %cond3A_109 = arith.cmpi ne, %convert_element_type3A_107, %cond3A_108 : i32
        scf.if %cond3A_109 {
          %mul3A_177 = arith.constant 32 : i32
          %mul3A_178 = arith.muli %mul3A_177, %while3A_69 : i32
          %add3A_179 = arith.addi %add3A, %mul3A_178 : i32
          %mul3A_180 = arith.constant 128 : i32
          %mul3A_181 = arith.muli %add3A_179, %mul3A_180 : i32
          %dma_wait3A_182 = arith.constant 0 : i32
          %dma_wait3A_183 = tpu.memref_slice %arg7[%dma_wait3A_182, %mul3A_181] : memref<400x320000xf32, #tpu.memory_space<hbm>> -> memref<272x128xf32, #tpu.memory_space<hbm>>
          %dma_wait3A_184 = arith.constant 0 : i32
          %dma_wait3A_185 = tpu.memref_slice %arg7[%dma_wait3A_184, %mul3A_181] : memref<400x320000xf32, #tpu.memory_space<hbm>> -> memref<272x128xf32, #tpu.memory_space<hbm>>
          tpu.wait_dma2 semaphore(%arg23 : memref<!tpu.dma_semaphore, #tpu.memory_space<semaphore_mem>>) src(%arg15 : memref<272x128xf32, #tpu.memory_space<vmem>>) dst(%dma_wait3A_185 : memref<272x128xf32, #tpu.memory_space<hbm>>)
          %dma_wait3A_186 = arith.constant 272 : i32
          %dma_wait3A_187 = tpu.memref_slice %arg7[%dma_wait3A_186, %mul3A_181] : memref<400x320000xf32, #tpu.memory_space<hbm>> -> memref<128x128xf32, #tpu.memory_space<hbm>>
          %dma_wait3A_188 = arith.constant 272 : i32
          %dma_wait3A_189 = tpu.memref_slice %arg7[%dma_wait3A_188, %mul3A_181] : memref<400x320000xf32, #tpu.memory_space<hbm>> -> memref<128x128xf32, #tpu.memory_space<hbm>>
          tpu.wait_dma2 semaphore(%arg23 : memref<!tpu.dma_semaphore, #tpu.memory_space<semaphore_mem>>) src(%arg16 : memref<128x128xf32, #tpu.memory_space<vmem>>) dst(%dma_wait3A_189 : memref<128x128xf32, #tpu.memory_space<hbm>>)
        } else {
        }
        %add3A_110 = arith.constant 1 : i32
        %add3A_111 = arith.addi %while3A_69, %add3A_110 : i32
        %lt3A_112 = arith.cmpi slt, %add3A_111, %select_n3A : i32
        %convert_element_type3A_113 = arith.extui %lt3A_112 : i1 to i32
        %cond3A_114 = arith.constant 0 : i32
        %cond3A_115 = arith.cmpi ne, %convert_element_type3A_113, %cond3A_114 : i32
        scf.if %cond3A_115 {
          %add3A_177 = arith.constant 1 : i32
          %add3A_178 = arith.addi %while3A_69, %add3A_177 : i32
          %mul3A_179 = arith.constant 32 : i32
          %mul3A_180 = arith.muli %mul3A_179, %add3A_178 : i32
          %add3A_181 = arith.addi %add3A, %mul3A_180 : i32
          %mul3A_182 = arith.constant 128 : i32
          %mul3A_183 = arith.muli %add3A_181, %mul3A_182 : i32
          %dma_start3A_184 = tpu.memref_slice %arg5[%mul3A_183] : memref<320000xi32, #tpu.memory_space<hbm>> -> memref<128xi32, #tpu.memory_space<hbm>>
          %dma_start3A_185 = tpu.memref_slice %arg5[%mul3A_183] : memref<320000xi32, #tpu.memory_space<hbm>> -> memref<128xi32, #tpu.memory_space<hbm>>
          tpu.enqueue_dma source(%dma_start3A_185 : memref<128xi32, #tpu.memory_space<hbm>>) target(%arg8 : memref<128xi32, #tpu.memory_space<vmem>>) target_semaphore(%arg18 : memref<!tpu.dma_semaphore, #tpu.memory_space<semaphore_mem>>)
          %dma_start3A_186 = tpu.memref_slice %arg6[%mul3A_183] : memref<320000xi32, #tpu.memory_space<hbm>> -> memref<128xi32, #tpu.memory_space<hbm>>
          %dma_start3A_187 = tpu.memref_slice %arg6[%mul3A_183] : memref<320000xi32, #tpu.memory_space<hbm>> -> memref<128xi32, #tpu.memory_space<hbm>>
          tpu.enqueue_dma source(%dma_start3A_187 : memref<128xi32, #tpu.memory_space<hbm>>) target(%arg10 : memref<128xi32, #tpu.memory_space<vmem>>) target_semaphore(%arg18 : memref<!tpu.dma_semaphore, #tpu.memory_space<semaphore_mem>>)
        } else {
        }
        %mul3A_116 = arith.constant 32 : i32
        %mul3A_117 = arith.muli %mul3A_116, %while3A_69 : i32
        %add3A_118 = arith.addi %add3A, %mul3A_117 : i32
        %mul3A_119 = arith.constant 128 : i32
        %mul3A_120 = arith.muli %add3A_118, %mul3A_119 : i32
        %dma_start3A_121 = arith.constant 0 : i32
        %dma_start3A_122 = arith.constant 0 : i32
        %dma_start3A_123 = tpu.memref_slice %arg15[%dma_start3A_121, %dma_start3A_122] : memref<272x128xf32, #tpu.memory_space<vmem>> -> memref<16x128xf32, #tpu.memory_space<vmem>>
        %dma_start3A_124 = arith.constant 0 : i32
        %dma_start3A_125 = tpu.memref_slice %arg2[%dma_start3A_124, %mul3A_120] : memref<16x320000xf32, #tpu.memory_space<hbm>> -> memref<16x128xf32, #tpu.memory_space<hbm>>
        %dma_start3A_126 = arith.constant 0 : i32
        %dma_start3A_127 = arith.constant 0 : i32
        %dma_start3A_128 = tpu.memref_slice %arg15[%dma_start3A_126, %dma_start3A_127] : memref<272x128xf32, #tpu.memory_space<vmem>> -> memref<16x128xf32, #tpu.memory_space<vmem>>
        %dma_start3A_129 = arith.constant 0 : i32
        %dma_start3A_130 = tpu.memref_slice %arg2[%dma_start3A_129, %mul3A_120] : memref<16x320000xf32, #tpu.memory_space<hbm>> -> memref<16x128xf32, #tpu.memory_space<hbm>>
        tpu.enqueue_dma source(%dma_start3A_130 : memref<16x128xf32, #tpu.memory_space<hbm>>) target(%dma_start3A_128 : memref<16x128xf32, #tpu.memory_space<vmem>>) target_semaphore(%arg21 : memref<!tpu.dma_semaphore, #tpu.memory_space<semaphore_mem>>)
        %dma_wait3A_131 = arith.constant 0 : i32
        %dma_wait3A_132 = arith.constant 0 : i32
        %dma_wait3A_133 = tpu.memref_slice %arg3[%dma_wait3A_131, %dma_wait3A_132] : memref<10000x128xf32, #tpu.memory_space<hbm>> -> memref<10000x128xf32, #tpu.memory_space<hbm>>
        tpu.wait_indirect_dma semaphore(%arg19 : memref<!tpu.dma_semaphore, #tpu.memory_space<semaphore_mem>>) src(%dma_wait3A_133 : memref<10000x128xf32, #tpu.memory_space<hbm>>) dst(%arg12 : memref<128x128xf32, #tpu.memory_space<vmem>>)
        %dma_wait3A_134 = arith.constant 0 : i32
        %dma_wait3A_135 = arith.constant 0 : i32
        %dma_wait3A_136 = tpu.memref_slice %arg3[%dma_wait3A_134, %dma_wait3A_135] : memref<10000x128xf32, #tpu.memory_space<hbm>> -> memref<10000x128xf32, #tpu.memory_space<hbm>>
        tpu.wait_indirect_dma semaphore(%arg19 : memref<!tpu.dma_semaphore, #tpu.memory_space<semaphore_mem>>) src(%dma_wait3A_136 : memref<10000x128xf32, #tpu.memory_space<hbm>>) dst(%arg13 : memref<128x128xf32, #tpu.memory_space<vmem>>)
        %scan3A_137 = arith.constant 0 : i32
        %scan3A_138 = arith.constant 0 : i32
        %scan3A_139 = arith.constant 128 : i32
        %scan3A_140 = arith.addi %scan3A_138, %scan3A_139 : i32
        %scan3A_141 = arith.constant 1 : i32
        scf.for %scan3A_177 = %scan3A_138 to %scan3A_140 step %scan3A_141  : i32 {
          %broadcast_in_dim3A = vector.broadcast %scan3A_177 : i32 to vector<16xi32>
          %get3A = arith.index_cast %scan3A_177 : i32 to index
          %get3A_178 = arith.constant 0 : index
          %get3A_179 = tpu.vector_load %arg12[%get3A, %get3A_178] {strides = array<i32>} : memref<128x128xf32, #tpu.memory_space<vmem>>, vector<16xf32>,
          %add3A_180 = arith.constant 16 : i32
          %add3A_181 = vector.broadcast %add3A_180 : i32 to vector<16xi32>
          %add3A_182 = arith.addi %add3A_181, %iota3A : vector<16xi32>
          tpu.vector_store_idx %arg15[%add3A_182, %broadcast_in_dim3A], %get3A_179 : memref<272x128xf32, #tpu.memory_space<vmem>>[vector<16xi32>, vector<16xi32>], vector<16xf32>,
          %get3A_183 = arith.index_cast %scan3A_177 : i32 to index
          %get3A_184 = arith.constant 0 : index
          %get3A_185 = tpu.vector_load %arg13[%get3A_183, %get3A_184] {strides = array<i32>} : memref<128x128xf32, #tpu.memory_space<vmem>>, vector<16xf32>,
          %add3A_186 = arith.constant 144 : i32
          %add3A_187 = vector.broadcast %add3A_186 : i32 to vector<16xi32>
          %add3A_188 = arith.addi %add3A_187, %iota3A : vector<16xi32>
          tpu.vector_store_idx %arg15[%add3A_188, %broadcast_in_dim3A], %get3A_185 : memref<272x128xf32, #tpu.memory_space<vmem>>[vector<16xi32>, vector<16xi32>], vector<16xf32>,
          %get3A_189 = arith.index_cast %scan3A_177 : i32 to index
          %get3A_190 = arith.constant 16 : index
          %get3A_191 = tpu.vector_load %arg12[%get3A_189, %get3A_190] {strides = array<i32>} : memref<128x128xf32, #tpu.memory_space<vmem>>, vector<16xf32>,
          %add3A_192 = arith.constant 32 : i32
          %add3A_193 = vector.broadcast %add3A_192 : i32 to vector<16xi32>
          %add3A_194 = arith.addi %add3A_193, %iota3A : vector<16xi32>
          tpu.vector_store_idx %arg15[%add3A_194, %broadcast_in_dim3A], %get3A_191 : memref<272x128xf32, #tpu.memory_space<vmem>>[vector<16xi32>, vector<16xi32>], vector<16xf32>,
          %get3A_195 = arith.index_cast %scan3A_177 : i32 to index
          %get3A_196 = arith.constant 16 : index
          %get3A_197 = tpu.vector_load %arg13[%get3A_195, %get3A_196] {strides = array<i32>} : memref<128x128xf32, #tpu.memory_space<vmem>>, vector<16xf32>,
          %add3A_198 = arith.constant 160 : i32
          %add3A_199 = vector.broadcast %add3A_198 : i32 to vector<16xi32>
          %add3A_200 = arith.addi %add3A_199, %iota3A : vector<16xi32>
          tpu.vector_store_idx %arg15[%add3A_200, %broadcast_in_dim3A], %get3A_197 : memref<272x128xf32, #tpu.memory_space<vmem>>[vector<16xi32>, vector<16xi32>], vector<16xf32>,
          %get3A_201 = arith.index_cast %scan3A_177 : i32 to index
          %get3A_202 = arith.constant 32 : index
          %get3A_203 = tpu.vector_load %arg12[%get3A_201, %get3A_202] {strides = array<i32>} : memref<128x128xf32, #tpu.memory_space<vmem>>, vector<16xf32>,
          %add3A_204 = arith.constant 48 : i32
          %add3A_205 = vector.broadcast %add3A_204 : i32 to vector<16xi32>
          %add3A_206 = arith.addi %add3A_205, %iota3A : vector<16xi32>
          tpu.vector_store_idx %arg15[%add3A_206, %broadcast_in_dim3A], %get3A_203 : memref<272x128xf32, #tpu.memory_space<vmem>>[vector<16xi32>, vector<16xi32>], vector<16xf32>,
          %get3A_207 = arith.index_cast %scan3A_177 : i32 to index
          %get3A_208 = arith.constant 32 : index
          %get3A_209 = tpu.vector_load %arg13[%get3A_207, %get3A_208] {strides = array<i32>} : memref<128x128xf32, #tpu.memory_space<vmem>>, vector<16xf32>,
          %add3A_210 = arith.constant 176 : i32
          %add3A_211 = vector.broadcast %add3A_210 : i32 to vector<16xi32>
          %add3A_212 = arith.addi %add3A_211, %iota3A : vector<16xi32>
          tpu.vector_store_idx %arg15[%add3A_212, %broadcast_in_dim3A], %get3A_209 : memref<272x128xf32, #tpu.memory_space<vmem>>[vector<16xi32>, vector<16xi32>], vector<16xf32>,
          %get3A_213 = arith.index_cast %scan3A_177 : i32 to index
          %get3A_214 = arith.constant 48 : index
          %get3A_215 = tpu.vector_load %arg12[%get3A_213, %get3A_214] {strides = array<i32>} : memref<128x128xf32, #tpu.memory_space<vmem>>, vector<16xf32>,
          %add3A_216 = arith.constant 64 : i32
          %add3A_217 = vector.broadcast %add3A_216 : i32 to vector<16xi32>
          %add3A_218 = arith.addi %add3A_217, %iota3A : vector<16xi32>
          tpu.vector_store_idx %arg15[%add3A_218, %broadcast_in_dim3A], %get3A_215 : memref<272x128xf32, #tpu.memory_space<vmem>>[vector<16xi32>, vector<16xi32>], vector<16xf32>,
          %get3A_219 = arith.index_cast %scan3A_177 : i32 to index
          %get3A_220 = arith.constant 48 : index
          %get3A_221 = tpu.vector_load %arg13[%get3A_219, %get3A_220] {strides = array<i32>} : memref<128x128xf32, #tpu.memory_space<vmem>>, vector<16xf32>,
          %add3A_222 = arith.constant 192 : i32
          %add3A_223 = vector.broadcast %add3A_222 : i32 to vector<16xi32>
          %add3A_224 = arith.addi %add3A_223, %iota3A : vector<16xi32>
          tpu.vector_store_idx %arg15[%add3A_224, %broadcast_in_dim3A], %get3A_221 : memref<272x128xf32, #tpu.memory_space<vmem>>[vector<16xi32>, vector<16xi32>], vector<16xf32>,
          %get3A_225 = arith.index_cast %scan3A_177 : i32 to index
          %get3A_226 = arith.constant 64 : index
          %get3A_227 = tpu.vector_load %arg12[%get3A_225, %get3A_226] {strides = array<i32>} : memref<128x128xf32, #tpu.memory_space<vmem>>, vector<16xf32>,
          %add3A_228 = arith.constant 80 : i32
          %add3A_229 = vector.broadcast %add3A_228 : i32 to vector<16xi32>
          %add3A_230 = arith.addi %add3A_229, %iota3A : vector<16xi32>
          tpu.vector_store_idx %arg15[%add3A_230, %broadcast_in_dim3A], %get3A_227 : memref<272x128xf32, #tpu.memory_space<vmem>>[vector<16xi32>, vector<16xi32>], vector<16xf32>,
          %get3A_231 = arith.index_cast %scan3A_177 : i32 to index
          %get3A_232 = arith.constant 64 : index
          %get3A_233 = tpu.vector_load %arg13[%get3A_231, %get3A_232] {strides = array<i32>} : memref<128x128xf32, #tpu.memory_space<vmem>>, vector<16xf32>,
          %add3A_234 = arith.constant 208 : i32
          %add3A_235 = vector.broadcast %add3A_234 : i32 to vector<16xi32>
          %add3A_236 = arith.addi %add3A_235, %iota3A : vector<16xi32>
          tpu.vector_store_idx %arg15[%add3A_236, %broadcast_in_dim3A], %get3A_233 : memref<272x128xf32, #tpu.memory_space<vmem>>[vector<16xi32>, vector<16xi32>], vector<16xf32>,
          %get3A_237 = arith.index_cast %scan3A_177 : i32 to index
          %get3A_238 = arith.constant 80 : index
          %get3A_239 = tpu.vector_load %arg12[%get3A_237, %get3A_238] {strides = array<i32>} : memref<128x128xf32, #tpu.memory_space<vmem>>, vector<16xf32>,
          %add3A_240 = arith.constant 96 : i32
          %add3A_241 = vector.broadcast %add3A_240 : i32 to vector<16xi32>
          %add3A_242 = arith.addi %add3A_241, %iota3A : vector<16xi32>
          tpu.vector_store_idx %arg15[%add3A_242, %broadcast_in_dim3A], %get3A_239 : memref<272x128xf32, #tpu.memory_space<vmem>>[vector<16xi32>, vector<16xi32>], vector<16xf32>,
          %get3A_243 = arith.index_cast %scan3A_177 : i32 to index
          %get3A_244 = arith.constant 80 : index
          %get3A_245 = tpu.vector_load %arg13[%get3A_243, %get3A_244] {strides = array<i32>} : memref<128x128xf32, #tpu.memory_space<vmem>>, vector<16xf32>,
          %add3A_246 = arith.constant 224 : i32
          %add3A_247 = vector.broadcast %add3A_246 : i32 to vector<16xi32>
          %add3A_248 = arith.addi %add3A_247, %iota3A : vector<16xi32>
          tpu.vector_store_idx %arg15[%add3A_248, %broadcast_in_dim3A], %get3A_245 : memref<272x128xf32, #tpu.memory_space<vmem>>[vector<16xi32>, vector<16xi32>], vector<16xf32>,
          %get3A_249 = arith.index_cast %scan3A_177 : i32 to index
          %get3A_250 = arith.constant 96 : index
          %get3A_251 = tpu.vector_load %arg12[%get3A_249, %get3A_250] {strides = array<i32>} : memref<128x128xf32, #tpu.memory_space<vmem>>, vector<16xf32>,
          %add3A_252 = arith.constant 112 : i32
          %add3A_253 = vector.broadcast %add3A_252 : i32 to vector<16xi32>
          %add3A_254 = arith.addi %add3A_253, %iota3A : vector<16xi32>
          tpu.vector_store_idx %arg15[%add3A_254, %broadcast_in_dim3A], %get3A_251 : memref<272x128xf32, #tpu.memory_space<vmem>>[vector<16xi32>, vector<16xi32>], vector<16xf32>,
          %get3A_255 = arith.index_cast %scan3A_177 : i32 to index
          %get3A_256 = arith.constant 96 : index
          %get3A_257 = tpu.vector_load %arg13[%get3A_255, %get3A_256] {strides = array<i32>} : memref<128x128xf32, #tpu.memory_space<vmem>>, vector<16xf32>,
          %add3A_258 = arith.constant 240 : i32
          %add3A_259 = vector.broadcast %add3A_258 : i32 to vector<16xi32>
          %add3A_260 = arith.addi %add3A_259, %iota3A : vector<16xi32>
          tpu.vector_store_idx %arg15[%add3A_260, %broadcast_in_dim3A], %get3A_257 : memref<272x128xf32, #tpu.memory_space<vmem>>[vector<16xi32>, vector<16xi32>], vector<16xf32>,
          %get3A_261 = arith.index_cast %scan3A_177 : i32 to index
          %get3A_262 = arith.constant 112 : index
          %get3A_263 = tpu.vector_load %arg12[%get3A_261, %get3A_262] {strides = array<i32>} : memref<128x128xf32, #tpu.memory_space<vmem>>, vector<16xf32>,
          %add3A_264 = arith.constant 128 : i32
          %add3A_265 = vector.broadcast %add3A_264 : i32 to vector<16xi32>
          %add3A_266 = arith.addi %add3A_265, %iota3A : vector<16xi32>
          tpu.vector_store_idx %arg15[%add3A_266, %broadcast_in_dim3A], %get3A_263 : memref<272x128xf32, #tpu.memory_space<vmem>>[vector<16xi32>, vector<16xi32>], vector<16xf32>,
          %get3A_267 = arith.index_cast %scan3A_177 : i32 to index
          %get3A_268 = arith.constant 112 : index
          %get3A_269 = tpu.vector_load %arg13[%get3A_267, %get3A_268] {strides = array<i32>} : memref<128x128xf32, #tpu.memory_space<vmem>>, vector<16xf32>,
          %add3A_270 = arith.constant 256 : i32
          %add3A_271 = vector.broadcast %add3A_270 : i32 to vector<16xi32>
          %add3A_272 = arith.addi %add3A_271, %iota3A : vector<16xi32>
          tpu.vector_store_idx %arg15[%add3A_272, %broadcast_in_dim3A], %get3A_269 : memref<272x128xf32, #tpu.memory_space<vmem>>[vector<16xi32>, vector<16xi32>], vector<16xf32>,
        }
        %scan3A_142 = arith.constant 128 : i32
        %add3A_143 = arith.constant 1 : i32
        %add3A_144 = arith.addi %while3A_69, %add3A_143 : i32
        %lt3A_145 = arith.cmpi slt, %add3A_144, %select_n3A : i32
        %convert_element_type3A_146 = arith.extui %lt3A_145 : i1 to i32
        %cond3A_147 = arith.constant 0 : i32
        %cond3A_148 = arith.cmpi ne, %convert_element_type3A_146, %cond3A_147 : i32
        scf.if %cond3A_148 {
          %add3A_177 = arith.constant 1 : i32
          %add3A_178 = arith.addi %while3A_69, %add3A_177 : i32
          %mul3A_179 = arith.constant 32 : i32
          %mul3A_180 = arith.muli %mul3A_179, %add3A_178 : i32
          %add3A_181 = arith.addi %add3A, %mul3A_180 : i32
          %mul3A_182 = arith.constant 128 : i32
          %mul3A_183 = arith.muli %add3A_181, %mul3A_182 : i32
          %dma_wait3A_184 = tpu.memref_slice %arg5[%mul3A_183] : memref<320000xi32, #tpu.memory_space<hbm>> -> memref<128xi32, #tpu.memory_space<hbm>>
          %dma_wait3A_185 = tpu.memref_slice %arg5[%mul3A_183] : memref<320000xi32, #tpu.memory_space<hbm>> -> memref<128xi32, #tpu.memory_space<hbm>>
          tpu.wait_dma2 semaphore(%arg18 : memref<!tpu.dma_semaphore, #tpu.memory_space<semaphore_mem>>) src(%dma_wait3A_185 : memref<128xi32, #tpu.memory_space<hbm>>) dst(%arg8 : memref<128xi32, #tpu.memory_space<vmem>>)
          %dma_wait3A_186 = tpu.memref_slice %arg6[%mul3A_183] : memref<320000xi32, #tpu.memory_space<hbm>> -> memref<128xi32, #tpu.memory_space<hbm>>
          %dma_wait3A_187 = tpu.memref_slice %arg6[%mul3A_183] : memref<320000xi32, #tpu.memory_space<hbm>> -> memref<128xi32, #tpu.memory_space<hbm>>
          tpu.wait_dma2 semaphore(%arg18 : memref<!tpu.dma_semaphore, #tpu.memory_space<semaphore_mem>>) src(%dma_wait3A_187 : memref<128xi32, #tpu.memory_space<hbm>>) dst(%arg10 : memref<128xi32, #tpu.memory_space<vmem>>)
          %dma_start3A_188 = arith.constant 0 : i32
          %dma_start3A_189 = arith.constant 0 : i32
          %dma_start3A_190 = tpu.memref_slice %arg3[%dma_start3A_188, %dma_start3A_189] : memref<10000x128xf32, #tpu.memory_space<hbm>> -> memref<10000x128xf32, #tpu.memory_space<hbm>>
          tpu.enqueue_indirect_dma source(%dma_start3A_190 : memref<10000x128xf32, #tpu.memory_space<hbm>>) target(%arg12 : memref<128x128xf32, #tpu.memory_space<vmem>>) offsets(%arg8 : memref<128xi32, #tpu.memory_space<vmem>>) semaphore(%arg19 : memref<!tpu.dma_semaphore, #tpu.memory_space<semaphore_mem>>)
          %dma_start3A_191 = arith.constant 0 : i32
          %dma_start3A_192 = arith.constant 0 : i32
          %dma_start3A_193 = tpu.memref_slice %arg3[%dma_start3A_191, %dma_start3A_192] : memref<10000x128xf32, #tpu.memory_space<hbm>> -> memref<10000x128xf32, #tpu.memory_space<hbm>>
          tpu.enqueue_indirect_dma source(%dma_start3A_193 : memref<10000x128xf32, #tpu.memory_space<hbm>>) target(%arg13 : memref<128x128xf32, #tpu.memory_space<vmem>>) offsets(%arg10 : memref<128xi32, #tpu.memory_space<vmem>>) semaphore(%arg19 : memref<!tpu.dma_semaphore, #tpu.memory_space<semaphore_mem>>)
        } else {
        }
        %mul3A_149 = arith.constant 32 : i32
        %mul3A_150 = arith.muli %mul3A_149, %while3A_69 : i32
        %add3A_151 = arith.addi %add3A, %mul3A_150 : i32
        %mul3A_152 = arith.constant 128 : i32
        %mul3A_153 = arith.muli %add3A_151, %mul3A_152 : i32
        %dma_wait3A_154 = arith.constant 0 : i32
        %dma_wait3A_155 = arith.constant 0 : i32
        %dma_wait3A_156 = tpu.memref_slice %arg15[%dma_wait3A_154, %dma_wait3A_155] : memref<272x128xf32, #tpu.memory_space<vmem>> -> memref<16x128xf32, #tpu.memory_space<vmem>>
        %dma_wait3A_157 = arith.constant 0 : i32
        %dma_wait3A_158 = tpu.memref_slice %arg2[%dma_wait3A_157, %mul3A_153] : memref<16x320000xf32, #tpu.memory_space<hbm>> -> memref<16x128xf32, #tpu.memory_space<hbm>>
        %dma_wait3A_159 = arith.constant 0 : i32
        %dma_wait3A_160 = arith.constant 0 : i32
        %dma_wait3A_161 = tpu.memref_slice %arg15[%dma_wait3A_159, %dma_wait3A_160] : memref<272x128xf32, #tpu.memory_space<vmem>> -> memref<16x128xf32, #tpu.memory_space<vmem>>
        %dma_wait3A_162 = arith.constant 0 : i32
        %dma_wait3A_163 = tpu.memref_slice %arg2[%dma_wait3A_162, %mul3A_153] : memref<16x320000xf32, #tpu.memory_space<hbm>> -> memref<16x128xf32, #tpu.memory_space<hbm>>
        tpu.wait_dma2 semaphore(%arg21 : memref<!tpu.dma_semaphore, #tpu.memory_space<semaphore_mem>>) src(%dma_wait3A_163 : memref<16x128xf32, #tpu.memory_space<hbm>>) dst(%dma_wait3A_161 : memref<16x128xf32, #tpu.memory_space<vmem>>)
        %mul3A_164 = arith.constant 32 : i32
        %mul3A_165 = arith.muli %mul3A_164, %while3A_69 : i32
        %add3A_166 = arith.addi %add3A, %mul3A_165 : i32
        %mul3A_167 = arith.constant 128 : i32
        %mul3A_168 = arith.muli %add3A_166, %mul3A_167 : i32
        %dma_start3A_169 = arith.constant 0 : i32
        %dma_start3A_170 = tpu.memref_slice %arg7[%dma_start3A_169, %mul3A_168] : memref<400x320000xf32, #tpu.memory_space<hbm>> -> memref<272x128xf32, #tpu.memory_space<hbm>>
        %dma_start3A_171 = arith.constant 0 : i32
        %dma_start3A_172 = tpu.memref_slice %arg7[%dma_start3A_171, %mul3A_168] : memref<400x320000xf32, #tpu.memory_space<hbm>> -> memref<272x128xf32, #tpu.memory_space<hbm>>
        tpu.enqueue_dma source(%arg15 : memref<272x128xf32, #tpu.memory_space<vmem>>) target(%dma_start3A_172 : memref<272x128xf32, #tpu.memory_space<hbm>>) target_semaphore(%arg23 : memref<!tpu.dma_semaphore, #tpu.memory_space<semaphore_mem>>)
        %dma_start3A_173 = arith.constant 272 : i32
        %dma_start3A_174 = tpu.memref_slice %arg7[%dma_start3A_173, %mul3A_168] : memref<400x320000xf32, #tpu.memory_space<hbm>> -> memref<128x128xf32, #tpu.memory_space<hbm>>
        %dma_start3A_175 = arith.constant 272 : i32
        %dma_start3A_176 = tpu.memref_slice %arg7[%dma_start3A_175, %mul3A_168] : memref<400x320000xf32, #tpu.memory_space<hbm>> -> memref<128x128xf32, #tpu.memory_space<hbm>>
        tpu.enqueue_dma source(%arg16 : memref<128x128xf32, #tpu.memory_space<vmem>>) target(%dma_start3A_176 : memref<128x128xf32, #tpu.memory_space<hbm>>) target_semaphore(%arg23 : memref<!tpu.dma_semaphore, #tpu.memory_space<semaphore_mem>>)
      } else {
      }
    }
    %mul3A_41 = arith.constant 32 : i32
    %mul3A_42 = arith.constant 0 : i32
    %mul3A_43 = arith.muli %mul3A_41, %mul3A_42 : i32
    %add3A_44 = arith.addi %add3A, %mul3A_43 : i32
    %mul3A_45 = arith.constant 128 : i32
    %mul3A_46 = arith.muli %add3A_44, %mul3A_45 : i32
    %dma_wait3A_47 = arith.constant 0 : i32
    %dma_wait3A_48 = tpu.memref_slice %arg7[%dma_wait3A_47, %mul3A_46] : memref<400x320000xf32, #tpu.memory_space<hbm>> -> memref<272x128xf32, #tpu.memory_space<hbm>>
    %dma_wait3A_49 = arith.constant 0 : i32
    %dma_wait3A_50 = tpu.memref_slice %arg7[%dma_wait3A_49, %mul3A_46] : memref<400x320000xf32, #tpu.memory_space<hbm>> -> memref<272x128xf32, #tpu.memory_space<hbm>>
    tpu.wait_dma2 semaphore(%arg22 : memref<!tpu.dma_semaphore, #tpu.memory_space<semaphore_mem>>) src(%arg14 : memref<272x128xf32, #tpu.memory_space<vmem>>) dst(%dma_wait3A_50 : memref<272x128xf32, #tpu.memory_space<hbm>>)
    %dma_wait3A_51 = arith.constant 272 : i32
    %dma_wait3A_52 = tpu.memref_slice %arg7[%dma_wait3A_51, %mul3A_46] : memref<400x320000xf32, #tpu.memory_space<hbm>> -> memref<128x128xf32, #tpu.memory_space<hbm>>
    %dma_wait3A_53 = arith.constant 272 : i32
    %dma_wait3A_54 = tpu.memref_slice %arg7[%dma_wait3A_53, %mul3A_46] : memref<400x320000xf32, #tpu.memory_space<hbm>> -> memref<128x128xf32, #tpu.memory_space<hbm>>
    tpu.wait_dma2 semaphore(%arg22 : memref<!tpu.dma_semaphore, #tpu.memory_space<semaphore_mem>>) src(%arg16 : memref<128x128xf32, #tpu.memory_space<vmem>>) dst(%dma_wait3A_54 : memref<128x128xf32, #tpu.memory_space<hbm>>)
    %mul3A_55 = arith.constant 32 : i32
    %mul3A_56 = arith.constant 0 : i32
    %mul3A_57 = arith.muli %mul3A_55, %mul3A_56 : i32
    %add3A_58 = arith.addi %add3A, %mul3A_57 : i32
    %mul3A_59 = arith.constant 128 : i32
    %mul3A_60 = arith.muli %add3A_58, %mul3A_59 : i32
    %dma_wait3A_61 = arith.constant 0 : i32
    %dma_wait3A_62 = tpu.memref_slice %arg7[%dma_wait3A_61, %mul3A_60] : memref<400x320000xf32, #tpu.memory_space<hbm>> -> memref<272x128xf32, #tpu.memory_space<hbm>>
    %dma_wait3A_63 = arith.constant 0 : i32
    %dma_wait3A_64 = tpu.memref_slice %arg7[%dma_wait3A_63, %mul3A_60] : memref<400x320000xf32, #tpu.memory_space<hbm>> -> memref<272x128xf32, #tpu.memory_space<hbm>>
    tpu.wait_dma2 semaphore(%arg23 : memref<!tpu.dma_semaphore, #tpu.memory_space<semaphore_mem>>) src(%arg15 : memref<272x128xf32, #tpu.memory_space<vmem>>) dst(%dma_wait3A_64 : memref<272x128xf32, #tpu.memory_space<hbm>>)
    %dma_wait3A_65 = arith.constant 272 : i32
    %dma_wait3A_66 = tpu.memref_slice %arg7[%dma_wait3A_65, %mul3A_60] : memref<400x320000xf32, #tpu.memory_space<hbm>> -> memref<128x128xf32, #tpu.memory_space<hbm>>
    %dma_wait3A_67 = arith.constant 272 : i32
    %dma_wait3A_68 = tpu.memref_slice %arg7[%dma_wait3A_67, %mul3A_60] : memref<400x320000xf32, #tpu.memory_space<hbm>> -> memref<128x128xf32, #tpu.memory_space<hbm>>
    tpu.wait_dma2 semaphore(%arg23 : memref<!tpu.dma_semaphore, #tpu.memory_space<semaphore_mem>>) src(%arg16 : memref<128x128xf32, #tpu.memory_space<vmem>>) dst(%dma_wait3A_68 : memref<128x128xf32, #tpu.memory_space<hbm>>)
    return
  }
}

</mosaic_0001>

<sc_bundles>
// kernel: kernel.3.cloned.1.call-start
scs
__scs_entry_jumppad:
0x0: {  	(pc) =	sbr.rel $0x88, $3  }
0x1: {  	(tag) =	ssettag $0x0;
	lr =	simm.s32 $0x1  }
0x2: {  	[smem:$0x3F9C] =	sst lr;
	_ =	strace $0xD0000000  }
0x3: {  	_ = 	snop  }
0x4: {  	_ = 	snop  }
0x5: {  	_ = 	snop  }
0x6: {  	_ = 	snop  }
0x7: {  	_ = 	snop  }
__scs_overlays_trampoline_lowered:
0x8: {  	[smem:$0x3FAB] =	sst s0  }
0x9: {  	[smem:$0x3FAC] =	sst s1  }
0xa: {  	[smem:$0x3FAD] =	sst s2  }
0xb: {  	[smem:$0x3FAE] =	sst s3  }
0xc: {  	[smem:$0x3FAF] =	sst s4  }
0xd: {  	[smem:$0x3FB0] =	sst s5  }
0xe: {  	[smem:$0x3FB1] =	sst s6  }
0xf: {  	[smem:$0x3FB2] =	sst s7  }
0x10: {  	[smem:$0x3FB3] =	sst s8  }
0x11: {  	[smem:$0x3FB4] =	sst s9;
	s0 =	simm.s32 @!p0 $0x0  }
0x12: {  	s1 =	sld [smem:$0x3F9A];
	s0 =	simm.s32 @p0 $0x1  }
0x13: {  	[smem:$0x3FB5] =	sst s0;
	s0 =	simm.s32 @!p1 $0x0  }
0x14: {  	s2 =	sld [smem:$0x3F99];
	s0 =	simm.s32 @p1 $0x1  }
0x15: {  	[smem:$0x3FB6] =	sst s0;
	s0 =	simm.s32 @!p2 $0x0  }
0x16: {  	s3 =	sld [smem:$0x3FDB];
	s0 =	simm.s32 @p2 $0x1  }
0x17: {  	s4 =	simm.s32 $0x1BF5;
	[smem:$0x3FB8] =	sst s0  }
0x18: {  	s0 =	sld [smem:$0x3F9B];
	_ =	swait.ge [sflag:s4], $0x0  }
0x19: {  	s7 =	sld [smem:$0x3F9C]  }
0x1a: {  	s8 =	sadd.s32 $0xFFFFE003, lr  }
0x1b: {  	s9 =	sadd.s32 $0xFFFFFEF7, lr;
	s5 =	simm.s32 $0xFFFFFFFF;
	p2 =	slt.u32 s8, $0xFFFFF086  }
0x1c: {  	p1 =	slt.u32 s9, $0xF7A;
	s5 =	simm.s32 @!p2 $0x0  }
0x1d: {  	s5 =	simm.s32 @p1 $0x1;
	p0 =	seq.s32 s7, s2  }
0x1e: {  	s7 =	smul.u32 @!p0 $0xF7A, s2;
	p2 =	seq.s32 @!p0 s5, $0x0  }
0x1f: {  	s9 =	smul.u32 $0xF7A, s1;
	s8 =	simm.s32 @!p0 $0x1BF5;
	p2 =	por !p2, p0  }
0x20: {  	[sflag:s8] =	ssyncset.s32 @!p0 $0xFFFFF086;
	s6 =	sadd.s32 @!p0 s3, s7;
	s7 =	simm.s32 @!p0 $0x108  }
0x21: {  	s3 =	sadd.s32 s3, s9;
	s6 =	sadd.s32 @!p0 $0x88, s6;
	s7 =	simm.s32 @p2 $0x1082  }
0x22: {  	[simem:s7], [sflag:s8] =	dma.local @!p0 [hbm:s6], $0xF7A  }
0x23: {  	s9 =	sor.u32 $0xD0000000, s2;
	s6 =	simm.s32 $0x108;
	_ =	swait.ge @!p0 [sflag:s8], $0x0  }
0x24: {  	s3 =	sadd.s32 $0x88, s3;
	s6 =	simm.s32 @!p1 $0x1082;
	[sflag:s4] =	ssyncset.s32 $0xFFFFF086  }
0x25: {  	[simem:s6], [sflag:s4] =	dma.local [hbm:s3], $0xF7A  }
0x26: {  	[smem:$0x3F9C] =	sst s1;
	(tag) =	ssettag s2;
	_ =	strace s9  }
0x27: {  	s1 =	sld [smem:$0x3FAC]  }
0x28: {  	s2 =	sld [smem:$0x3FAD]  }
0x29: {  	s4 =	sld [smem:$0x3FAF]  }
0x2a: {  	p0 =	seq.s32 s5, $0x0;
	s5 =	sld [smem:$0x3FB0]  }
0x2b: {  	s6 =	sld [smem:$0x3FB1]  }
0x2c: {  	s7 =	sld [smem:$0x3FB2]  }
0x2d: {  	s3 =	simm.s32 $0x108;
	s8 =	sld [smem:$0x3FB3]  }
0x2e: {  	s3 =	simm.s32 @!p0 $0x1082;
	s9 =	sld [smem:$0x3FB4]  }
0x2f: {  	lr =	sadd.s32 s0, s3;
	s0 =	sld [smem:$0x3FAB]  }
0x30: {  	s3 =	sld [smem:$0x3FAE]  }
0x31: {  	[smem:$0x3FB7] =	sst s10  }
0x32: {  	s10 =	sld [smem:$0x3FB5];
	_ =	sdelay $0x3  }
0x33: {  	p0 =	seq.s32 s10, $0x1;
	s10 =	sld [smem:$0x3FB7];
	_ =	sdelay $0x3  }
0x34: {  	[smem:$0x3FB7] =	sst s10  }
0x35: {  	s10 =	sld [smem:$0x3FB6];
	_ =	sdelay $0x3  }
0x36: {  	p1 =	seq.s32 s10, $0x1;
	s10 =	sld [smem:$0x3FB7];
	_ =	sdelay $0x3  }
0x37: {  	[smem:$0x3FB7] =	sst s10  }
0x38: {  	s10 =	sld [smem:$0x3FB8]  }
0x39: {  	_ = 	snop;
	(pc) =	sbr.ind lr, $3  }
0x3a: {  	_ = 	snop  }
0x3b: {  	_ = 	snop  }
0x3c: {  	p2 =	seq.s32 s10, $0x1;
	s10 =	sld [smem:$0x3FB7]  }
0x3d: {  	_ =	shalt  }
0x3e: {  	_ =	shalt  }
0x3f: {  	_ =	shalt  }
0x40: {  	_ =	shalt  }
0x41: {  	_ =	shalt  }
0x42: {  	_ =	shalt  }
0x43: {  	_ =	shalt  }
0x44: {  	_ =	shalt  }
0x45: {  	_ =	shalt  }
0x46: {  	_ =	shalt  }
0x47: {  	_ =	shalt  }
0x48: {  	_ =	shalt  }
0x49: {  	_ =	shalt  }
0x4a: {  	_ =	shalt  }
0x4b: {  	_ =	shalt  }
0x4c: {  	_ =	shalt  }
0x4d: {  	_ =	shalt  }
0x4e: {  	_ =	shalt  }
0x4f: {  	_ =	shalt  }
0x50: {  	_ =	shalt  }
0x51: {  	_ =	shalt  }
0x52: {  	_ =	shalt  }
0x53: {  	_ =	shalt  }
0x54: {  	_ =	shalt  }
0x55: {  	_ =	shalt  }
0x56: {  	_ =	shalt  }
0x57: {  	_ =	shalt  }
0x58: {  	_ =	shalt  }
0x59: {  	_ =	shalt  }
0x5a: {  	_ =	shalt  }
0x5b: {  	_ =	shalt  }
0x5c: {  	_ =	shalt  }
0x5d: {  	_ =	shalt  }
0x5e: {  	_ =	shalt  }
0x5f: {  	_ =	shalt  }
0x60: {  	_ =	shalt  }
0x61: {  	_ =	shalt  }
0x62: {  	_ =	shalt  }
0x63: {  	_ =	shalt  }
0x64: {  	_ =	shalt  }
0x65: {  	_ =	shalt  }
0x66: {  	_ =	shalt  }
0x67: {  	_ =	shalt  }
0x68: {  	_ =	shalt  }
0x69: {  	_ =	shalt  }
0x6a: {  	_ =	shalt  }
0x6b: {  	_ =	shalt  }
0x6c: {  	_ =	shalt  }
0x6d: {  	_ =	shalt  }
0x6e: {  	_ =	shalt  }
0x6f: {  	_ =	shalt  }
0x70: {  	_ =	shalt  }
0x71: {  	_ =	shalt  }
0x72: {  	_ =	shalt  }
0x73: {  	_ =	shalt  }
0x74: {  	_ =	shalt  }
0x75: {  	_ =	shalt  }
0x76: {  	_ =	shalt  }
0x77: {  	_ =	shalt  }
0x78: {  	_ =	shalt  }
0x79: {  	_ =	shalt  }
0x7a: {  	_ =	shalt  }
0x7b: {  	_ =	shalt  }
0x7c: {  	_ =	shalt  }
0x7d: {  	_ =	shalt  }
0x7e: {  	_ =	shalt  }
0x7f: {  	_ =	shalt  }
0x80: {  	_ =	shalt  }
0x81: {  	_ =	shalt  }
0x82: {  	_ =	shalt  }
0x83: {  	_ =	shalt  }
0x84: {  	_ =	shalt  }
0x85: {  	_ =	shalt  }
0x86: {  	_ =	shalt  }
0x87: {  	_ =	shalt  }
.Lfunc_end0:
.L_simem_size_0:
called_computation_lowered:
.L_overlay_start_0:
0x88: {  	s2 =	sld [smem:$0x3FD9]  }
0x89: {  	s3 =	sld [smem:$0x3FFE];
	_ =	sdelay $0x1  }
0x8a: {  	s1 =	srdreg.scid  }
0x8b: {  	s0 =	sand.u32 $0x1, s1  }
0x8c: {  	s18 =	sshll.u32 s0, $0xA;
	s2 =	sadd.s32 s3, s2  }
0x8d: {  	s2 =	sadd.s32 s2, s18  }
0x8e: {  	[smem:$0x3FC3] =	sst s2  }
0x8f: {  	_ = 	snop  }
0x90: {  	s2 =	sld [smem:$0x3FC9]  }
0x91: {  	s19 =	sld [smem:$0x3FC8]  }
0x92: {  	s4 =	sld [smem:$0x3FC7]  }
0x93: {  	s5 =	sld [smem:$0x3FC6]  }
0x94: {  	s6 =	sld [smem:$0x3FC5]  }
0x95: {  	s7 =	sld [smem:$0x3FD0];
	(tm) =	ssettm $0x1  }
0x96: {  	s8 =	sld [smem:$0x3FFB];
	_ =	sdelay $0x3  }
0x97: {  	_ =	strace s8  }
0x98: {  	s8 =	sld [smem:$0x3FFC];
	_ =	sdelay $0x3  }
0x99: {  	_ =	strace s8  }
0x9a: {  	s8 =	sld [smem:$0x3FFD];
	_ =	sdelay $0x3  }
0x9b: {  	_ =	strace s8  }
0x9c: {  	_ =	strace $0x8FFFFFFF  }
0x9d: {  	s20 =	sld [smem:$0x3FDB];
	_ =	sdelay $0x1  }
0x9e: {  	s9 =	simm.s32 $_scs_section_size  }
0x9f: {  	s10 =	simm.s32 $_size__tile_overlayer_lowered;
	s11 =	simm.s32 $_tile_overlayer_lowered  }
0xa0: {  	s23 =	simm.s32 $0x1BFF;
	s22 =	sshll.u32 s11, $0x1;
	s8 =	sadd.s32 s9, s20  }
0xa1: {  	s12 =	simm.s32 $0x0;
	s21 =	sshll.u32 s10, $0x1;
	s10 =	sadd.s32 s22, s8  }
0xa2: {  	[timem:s12], [sflag:s23] =	dma.local [hbm:s10], s21  }
0xa3: {  	_ =	swait.ge [sflag:s23], s21  }
0xa4: {  	s9 =	ssub.s32 $0x0, s21;
	[sflag:s23] =	ssyncset.done $0x0  }
0xa5: {  	[sflag:s23] =	ssyncadd.s32 s9;
	_ =	sdelay $0x1  }
0xa6: {  	s24 =	simm.s32 $0x1B8B  }
0xa7: {  	_ =	swait.ge [sflag:s24], $0x1  }
0xa8: {  	[sflag:s24] =	ssyncset.done $0x0  }
0xa9: {  	s25 =	simm.s32 $0x1B8E;
	[sflag:s24] =	ssyncadd.s32 $0xFFFFFFFF  }
0xaa: {  	s26 =	simm.s32 $execute0_lowered;
	[smem:$0x3FD2] =	sst s25  }
0xab: {  	s9 =	sshll.u32 s26, $0x1;
	_ =	strace $0x80000046;
	[dreg:$0x1] =	wrdreg $0xFFFFFFFF  }
0xac: {  	s28 =	simm.s32 $_size_execute0_lowered;
	s8 =	sadd.s32 s8, s9;
	[dreg:$0x0] =	wrdreg $0x0  }
0xad: {  	s9 =	sshll.u32 s28, $0x1;
	[dreg:$0x2] =	wrdreg s8  }
0xae: {  	[dreg:$0x3] =	wrdreg s9  }
0xaf: {  	[dreg:$0x4] =	wrdreg $0xC0  }
0xb0: {  	_ =	task [dreg:s12], $0x5FFFF  }
0xb1: {  	[dreg:$0x1] =	wrdreg $0xFFFFFFFF  }
0xb2: {  	[dreg:$0x0] =	wrdreg $0x60  }
0xb3: {  	[dreg:$0x2] =	wrdreg s2  }
0xb4: {  	[dreg:$0x3] =	wrdreg s19  }
0xb5: {  	[dreg:$0x4] =	wrdreg s4  }
0xb6: {  	[dreg:$0x5] =	wrdreg s5  }
0xb7: {  	[dreg:$0x6] =	wrdreg s6  }
0xb8: {  	[dreg:$0x7] =	wrdreg s7  }
0xb9: {  	[dreg:$0x8] =	wrdreg $0x9  }
0xba: {  	_ =	task.clear_ibuf [dreg:s12], $0x9FFFF;
	_ =	strace $0x90000046  }
0xbb: {  	s29 =	simm.s32 $0x9;
	_ =	strace $0x80000048  }
0xbc: {  	_ =	swait.ge [sflag:s29], $0x1  }
0xbd: {  	[sflag:s29] =	ssyncadd.s32 $0xFFFFFFFF  }
0xbe: {  	_ =	strace $0x90000048  }
0xbf: {  	_ =	sfence  }
0xc0: {  	s30 =	sld [smem:$0x0];
	_ =	sdelay $0x2  }
0xc1: {  	s31 =	sshll.u32 s1, $0xD;
	s1 =	sshrl.u32 s1, $0x2  }
0xc2: {  	s3 =	sand.u32 $0x4000, s31;
	s1 =	sadd.s32 s1, s30  }
0xc3: {  	s0 =	sor.u32 s3, s0;
	s1 =	sshll.u32 s1, $0x11  }
0xc4: {  	s0 =	sor.u32 s1, s0  }
0xc5: {  	s0 =	sadd.s32 $0x8F2B, s0  }
0xc6: {  	[sflag:s0] =	ssyncadd.remote.s32 $0x1  }
0xc7: {  	_ =	sfence.sel $0xFFFF  }
0xc8: {  	[dreg:$0x0] =	wrdreg $0xFFFFFFFF;
	(pc) =	sbr.abs _section_cstart, $3  }
0xc9: {  	[dreg:$0x1] =	wrdreg $0xFFFFFFFF  }
0xca: {  	_ =	task.clear_ibuf [dreg:s12], $0x2FFFF;
	_ =	strace $0x9FFFFFFF  }
0xcb: {  	(tm) =	ssettm $0x7FFFFFFF  }
tec
execute0_lowered:
.L_overlay_start_1:
0x0: {  	(tag) =	ssettag $0x1  }
0x1: {  	s0 =	rddreg [dreg:$0x0]  }
0x2: {  	s2 =	rddreg [dreg:$0x1]  }
0x3: {  	s4 =	rddreg [dreg:$0x3]  }
0x4: {  	s5 =	rddreg [dreg:$0x4]  }
0x5: {  	s6 =	rddreg [dreg:$0x5]  }
0x6: {  	s1 =	srdreg.scid;
	s7 =	simm.s32 $0x0;
	s9 =	stileid.u32  }
0x7: {  	s15 =	simm.s32 $0x1D200;
	s16 =	simm.s32 $0x7;
	s18 =	simm.s32 $0x1  }
0x8: {  	s22 =	simm.s32 $0x400;
	s23 =	simm.s32 $0x271000;
	s28 =	simm.s32 $0x19200  }
0x9: {  	v0 =	vlaneseq.u32;
	s29 =	simm.s32 $0x5;
	s30 =	simm.s32 $0x6;
	s31 =	simm.s32 $0x8200  }
0xa: {  	s1 =	sand.u32 $0x1, s1;
	[smem:$0x7FF] =	sst s7;
	s8 =	sshll.u32 s9, $0x1;
	v15 =	vmul.u32 $0x80, v0  }
0xb: {  	p0 =	slt.u32 s9, $0x2;
	s9 =	simm.s32 $0x4F;
	s7 =	simm.s32 $0x0  }
0xc: {  	s3 =	ssub.s32 $0x2, s1;
	_ =	strace $0x80000047;
	s1 =	sor.u32 s1, s8;
	v0 =	vor.u32 $0x800, v15  }
.Ltmp0:
0xd: {  	s9 =	simm.s32 @!p0 $0x4E;
	s24 =	sshrl.u32 s3, $0x1;
	v1 =	vor.u32 $0x4800, v15;
	v2 =	vor.u32 $0x1000, v15;
	v3 =	vor.u32 $0x5000, v15;
	(pc) =	sbr.rel .LBB2_1-.Ltmp0, $4  }
0xe: {  	s25 =	sshll.u32 s1, $0x4;
	s12 =	sshll.u32 s1, $0x7;
	s13 =	sshll.u32 s1, $0xA;
	v4 =	vor.u32 $0x1800, v15;
	v5 =	vor.u32 $0x5800, v15;
	v6 =	vor.u32 $0x2000, v15  }
0xf: {  	v7 =	vor.u32 $0x6000, v15;
	v8 =	vor.u32 $0x2800, v15;
	v9 =	vor.u32 $0x6800, v15;
	s1 =	simm.s32 $0x3;
	s3 =	ssub.s32 s3, s24;
	s26 =	sadd.s32 s4, s25  }
0x10: {  	v10 =	vor.u32 $0x3000, v15;
	v11 =	vor.u32 $0x7000, v15;
	v12 =	vor.u32 $0x3800, v15;
	s11 =	sadd.s32 s5, s25;
	s24 =	simm.s32 $0x10A00;
	s25 =	simm.s32 $0x2  }
0x11: {  	v13 =	vor.u32 $0x7800, v15;
	v14 =	vor.u32 $0x4000, v15;
	v15 =	vor.u32 $0x8000, v15;
	[dreg:$0x7] =	wrdreg s26;
	s14 =	smax.u32 s3, $0x1;
	s26 =	simm.s32 $0x4  }
.LBB2_12:
0x12: {  	_ =	swait.ge [sflag:s29], $0x8800  }
0x13: {  	[sflag:s29] =	ssyncset.done $0x0  }
0x14: {  	[sflag:s29] =	ssyncadd.s32 $0xFFFF7800  }
0x15: {  	_ =	swait.ge [sflag:s29], $0x4000  }
0x16: {  	[sflag:s29] =	ssyncset.done $0x0  }
0x17: {  	s7 =	sadd.s32 $0x1, s7;
	[sflag:s29] =	ssyncadd.s32 $0xFFFFC000  }
0x18: {  	p0 =	sne.s32 s7, s14;
	_ =	swait.ge [sflag:s30], $0x8800  }
.Ltmp1:
0x19: {  	[sflag:s30] =	ssyncset.done $0x0;
	(pc) =	sbr.rel @!p0 .LBB2_13-.Ltmp1, $4  }
0x1a: {  	[sflag:s30] =	ssyncadd.s32 $0xFFFF7800  }
0x1b: {  	_ =	swait.ge [sflag:s30], $0x4000  }
0x1c: {  	[sflag:s30] =	ssyncset.done $0x0  }
0x1d: {  	[sflag:s30] =	ssyncadd.s32 $0xFFFFC000  }
.LBB2_1:
0x1e: {  	s8 =	simm.s32 $0x0  }
0x1f: {  	s3 =	rddreg [dreg:$0x2];
	v16 =	vmov s8  }
0x20: {  	[tilespmem:s15], [sflag:$0x7] =	stream.linear.gather [hbm4b:s3+s8], $0x80, $0x38;
	[tilespmem:$0x1D280] =	vst v63  }
0x21: {  	_ =	swait.ge [sflag:s16], $0x80  }
0x22: {  	[sflag:s16] =	ssyncset.done $0x0  }
0x23: {  	[sflag:s16] =	ssyncadd.s32 $0xFFFFFF80  }
0x24: {  	v16 =	vld.idx.msk [tilespmem:v16+s15+$0x0], $0xffff;
	_ =	sdelay $0x3  }
0x25: {  	s3 =	simm.s32 $0x19240  }
0x26: {  	[tilespmem:s3+$0xFFFFFFC0] =	vst v16  }
0x27: {  	[tilespmem:s3+$0xFFFFFFD0] =	vst v16  }
0x28: {  	s21 =	simm.s32 $0x1;
	[tilespmem:s3+$0xFFFFFFE0] =	vst v16  }
0x29: {  	v17 =	vmov s21;
	s8 =	simm.s32 $0x2;
	[tilespmem:s3+$0xFFFFFFF0] =	vst v16  }
.LBB2_2:
0x2a: {  	p0 =	sne.s32 s8, $0x7F;
	[tilespmem:s3+$0x0] =	vst v16  }
0x2b: {  	[tilespmem:s3+$0x10] =	vst v16  }
0x2c: {  	[tilespmem:s3+$0x20] =	vst v16  }
0x2d: {  	[tilespmem:s3+$0x30] =	vst v16  }
0x2e: {  	v16 =	vld.idx.msk [tilespmem:v17+s15+$0x0], $0xffff;
	_ =	sdelay $0x4  }
.Ltmp2:
0x2f: {  	s3 =	sadd.s32 $0x80, s3;
	(pc) =	sbr.rel @p0 .LBB2_2-.Ltmp2, $4  }
0x30: {  	[tilespmem:s3+$0xFFFFFFC0] =	vst v16  }
0x31: {  	[tilespmem:s3+$0xFFFFFFD0] =	vst v16  }
0x32: {  	[tilespmem:s3+$0xFFFFFFE0] =	vst v16  }
0x33: {  	v17 =	vmov s8;
	s8 =	sadd.s32 $0x1, s8;
	[tilespmem:s3+$0xFFFFFFF0] =	vst v16  }
0x34: {  	[tilespmem:s3+$0x0] =	vst v16  }
0x35: {  	[tilespmem:s3+$0x10] =	vst v16  }
0x36: {  	[tilespmem:s3+$0x20] =	vst v16  }
0x37: {  	[tilespmem:s3+$0x30] =	vst v16  }
0x38: {  	v16 =	vld.idx.msk [tilespmem:v17+s15+$0x0], $0xffff;
	_ =	sdelay $0x3  }
0x39: {  	s19 =	sadd.s32 $0x80, s3  }
0x3a: {  	[tilespmem:s19+$0xFFFFFFC0] =	vst v16  }
0x3b: {  	[tilespmem:s19+$0xFFFFFFD0] =	vst v16  }
0x3c: {  	[tilespmem:s19+$0xFFFFFFE0] =	vst v16  }
0x3d: {  	[tilespmem:s19+$0xFFFFFFF0] =	vst v16  }
0x3e: {  	[tilespmem:s19+$0x0] =	vst v16  }
0x3f: {  	[tilespmem:s19+$0x10] =	vst v16  }
0x40: {  	[tilespmem:s19+$0x20] =	vst v16  }
0x41: {  	s3 =	simm.s32 $0x0;
	s8 =	rddreg [dreg:$0x7];
	[tilespmem:s19+$0x30] =	vst v16  }
0x42: {  	[tilespmem:s3], [sflag:$0x1] =	stream.linear.gather [hbm4b:s8+s3], $0x80, $0x38;
	[tilespmem:$0x1D280] =	vst v63  }
0x43: {  	s20 =	simm.s32 $0x100  }
0x44: {  	[tilespmem:s20], [sflag:$0x1] =	stream.linear.gather [hbm4b:s11+s3], $0x80, $0x38;
	[tilespmem:$0x1D280] =	vst v63  }
0x45: {  	_ =	swait.ge [sflag:s18], $0x80  }
0x46: {  	[sflag:s18] =	ssyncset.done $0x0  }
0x47: {  	[sflag:s18] =	ssyncadd.s32 $0xFFFFFF80  }
0x48: {  	_ =	swait.ge [sflag:s18], $0x80  }
.Ltmp3:
0x49: {  	[sflag:s18] =	ssyncset.done $0x0;
	(pc) =	sbr.rel .LBB2_4-.Ltmp3, $4  }
0x4a: {  	s10 =	simm.s32 $0x80;
	s17 =	simm.s32 $0x200;
	[sflag:s18] =	ssyncadd.s32 $0xFFFFFF80  }
0x4b: {  	[tilespmem:s17], [sflag:$0x2] =	stream.indirect.gather [hbm4b:s2+s10], $0x80, s3, s10, $0xb8;
	[tilespmem:$0x1D280] =	vst v63  }
0x4c: {  	s21 =	simm.s32 $0x4200  }
0x4d: {  	[tilespmem:s21], [sflag:$0x2] =	stream.indirect.gather [hbm4b:s2+s10], $0x80, s20, s10, $0xb8;
	[tilespmem:$0x1D280] =	vst v63  }
.LBB2_11:
0x4e: {  	p0 =	sne.s32 s20, s9  }
.Ltmp4:
0x4f: {  	_ = 	snop;
	(pc) =	sbr.rel @!p0 .LBB2_12-.Ltmp4, $2  }
0x50: {  	_ =	sdelay $0x2  }
0x51: {  	s3 =	smov.u32 s20  }
.LBB2_4:
0x52: {  	s21 =	sand.u32 $0x1, s3  }
0x53: {  	p0 =	seq.s32 s21, $0x1  }
.Ltmp5:
0x54: {  	_ = 	snop;
	(pc) =	sbr.rel @p0 .LBB2_8-.Ltmp5, $1  }
0x55: {  	_ =	sdelay $0x3  }
0x56: {  	p1 =	slt.u32 s3, $0x2  }
0x57: {  	s8 =	simm.s32 @!p1 $0x5  }
0x58: {  	_ =	swait.ge @!p1 [sflag:s8], $0x8800  }
0x59: {  	s20 =	sor.u32 $0x1, s3;
	[sflag:s8] =	ssyncset.done @!p1 $0x0  }
0x5a: {  	p0 =	sge.u32 s20, s9;
	[sflag:s8] =	ssyncadd.s32 @!p1 $0xFFFF7800  }
0x5b: {  	s10 =	sshll.u32 @!p0 s20, $0xC;
	_ =	swait.ge @!p1 [sflag:s8], $0x4000  }
0x5c: {  	s10 =	sor.u32 @!p0 s12, s10;
	[sflag:s8] =	ssyncset.done @!p1 $0x0  }
0x5d: {  	[sflag:s8] =	ssyncadd.s32 @!p1 $0xFFFFC000;
	s8 =	sshrl.u32 @!p0 s10, $0x3  }
0x5e: {  	s17 =	simm.s32 @!p0 $0x0;
	s19 =	simm.s32 @!p0 $0x80;
	s10 =	sadd.s32 @!p0 s4, s8  }
0x5f: {  	[tilespmem:s19], [sflag:$0x1] =	stream.linear.gather @!p0 [hbm4b:s10+s17], $0x80, $0x38;
	[tilespmem:$0x1D280] =	vst v63  }
0x60: {  	s8 =	sadd.s32 @!p0 s5, s8;
	s10 =	simm.s32 @!p0 $0x180  }
0x61: {  	[tilespmem:s10], [sflag:$0x1] =	stream.linear.gather @!p0 [hbm4b:s8+s17], $0x80, $0x38;
	[tilespmem:$0x1D280] =	vst v63  }
0x62: {  	s10 =	sshll.u32 s3, $0xF  }
0x63: {  	s8 =	sor.u32 s13, s10  }
0x64: {  	s8 =	sshrl.u32 s8, $0x3  }
0x65: {  	s17 =	sadd.s32 s0, s8  }
0x66: {  	[tilespmem:s31], [sflag:$0x3] =	stream.strided.gather [hbm4b:s17+s22], $0x800, s23, s22, $0x38;
	[tilespmem:$0x1D280] =	vst v63  }
0x67: {  	_ =	swait.ge [sflag:s25], $0x4000  }
0x68: {  	s19 =	simm.s32 $0x0;
	[sflag:s25] =	ssyncset.done $0x0  }
0x69: {  	v16 =	vmov s19;
	[sflag:s25] =	ssyncadd.s32 $0xFFFFC000  }
0x6a: {  	v16 =	vand.u32 $0x7F, v16;
	_ =	swait.ge [sflag:s25], $0x4000  }
0x6b: {  	v16 =	vbroadcast v16, $0x0;
	[sflag:s25] =	ssyncset.done $0x0  }
0x6c: {  	s19 =	simm.s32 $0x240;
	[sflag:s25] =	ssyncadd.s32 $0xFFFFC000  }
0x6d: {  	v18 =	vor.u32 v0, v16;
	v17 =	vld [tilespmem:s19+$0xFFFFFFC0];
	_ =	sdelay $0x4  }
0x6e: {  	s17 =	simm.s32 $0x4240;
	[tilespmem:v18+s31+$0x0] =	vst.idx.msk $0xffff, v17  }
0x6f: {  	v18 =	vor.u32 v1, v16;
	v17 =	vld [tilespmem:s17+$0xFFFFFFC0];
	_ =	sdelay $0x4  }
0x70: {  	[tilespmem:v18+s31+$0x0] =	vst.idx.msk $0xffff, v17  }
0x71: {  	v18 =	vor.u32 v2, v16;
	v17 =	vld [tilespmem:s19+$0xFFFFFFD0];
	_ =	sdelay $0x4  }
0x72: {  	[tilespmem:v18+s31+$0x0] =	vst.idx.msk $0xffff, v17  }
0x73: {  	v18 =	vor.u32 v3, v16;
	v17 =	vld [tilespmem:s17+$0xFFFFFFD0];
	_ =	sdelay $0x4  }
0x74: {  	[tilespmem:v18+s31+$0x0] =	vst.idx.msk $0xffff, v17  }
0x75: {  	v18 =	vor.u32 v4, v16;
	v17 =	vld [tilespmem:s19+$0xFFFFFFE0];
	_ =	sdelay $0x4  }
0x76: {  	[tilespmem:v18+s31+$0x0] =	vst.idx.msk $0xffff, v17  }
0x77: {  	v18 =	vor.u32 v5, v16;
	v17 =	vld [tilespmem:s17+$0xFFFFFFE0];
	_ =	sdelay $0x4  }
0x78: {  	[tilespmem:v18+s31+$0x0] =	vst.idx.msk $0xffff, v17  }
0x79: {  	v18 =	vor.u32 v6, v16;
	v17 =	vld [tilespmem:s19+$0xFFFFFFF0];
	_ =	sdelay $0x4  }
0x7a: {  	[tilespmem:v18+s31+$0x0] =	vst.idx.msk $0xffff, v17  }
0x7b: {  	v18 =	vor.u32 v7, v16;
	v17 =	vld [tilespmem:s17+$0xFFFFFFF0];
	_ =	sdelay $0x4  }
0x7c: {  	[tilespmem:v18+s31+$0x0] =	vst.idx.msk $0xffff, v17  }
0x7d: {  	v18 =	vor.u32 v8, v16;
	v17 =	vld [tilespmem:s19+$0x0];
	_ =	sdelay $0x4  }
0x7e: {  	[tilespmem:v18+s31+$0x0] =	vst.idx.msk $0xffff, v17  }
0x7f: {  	v18 =	vor.u32 v9, v16;
	v17 =	vld [tilespmem:s17+$0x0];
	_ =	sdelay $0x4  }
0x80: {  	[tilespmem:v18+s31+$0x0] =	vst.idx.msk $0xffff, v17  }
0x81: {  	v18 =	vor.u32 v10, v16;
	v17 =	vld [tilespmem:s19+$0x10];
	_ =	sdelay $0x4  }
0x82: {  	[tilespmem:v18+s31+$0x0] =	vst.idx.msk $0xffff, v17  }
0x83: {  	v18 =	vor.u32 v11, v16;
	v17 =	vld [tilespmem:s17+$0x10];
	_ =	sdelay $0x4  }
0x84: {  	[tilespmem:v18+s31+$0x0] =	vst.idx.msk $0xffff, v17  }
0x85: {  	v18 =	vor.u32 v12, v16;
	v17 =	vld [tilespmem:s19+$0x20];
	_ =	sdelay $0x4  }
0x86: {  	[tilespmem:v18+s31+$0x0] =	vst.idx.msk $0xffff, v17  }
0x87: {  	v18 =	vor.u32 v13, v16;
	v17 =	vld [tilespmem:s17+$0x20];
	_ =	sdelay $0x4  }
0x88: {  	[tilespmem:v18+s31+$0x0] =	vst.idx.msk $0xffff, v17  }
0x89: {  	v18 =	vor.u32 v14, v16;
	v17 =	vld [tilespmem:s19+$0x30];
	_ =	sdelay $0x4  }
0x8a: {  	[tilespmem:v18+s31+$0x0] =	vst.idx.msk $0xffff, v17  }
0x8b: {  	v18 =	vor.u32 v15, v16;
	v17 =	vld [tilespmem:s17+$0x30]  }
0x8c: {  	s10 =	simm.s32 $0x1  }
0x8d: {  	v16 =	vmov s10;
	s10 =	simm.s32 $0x2  }
.LBB2_6:
0x8e: {  	p1 =	sne.s32 s10, $0x7F;
	v16 =	vand.u32 $0x7F, v16  }
0x8f: {  	v16 =	vbroadcast v16, $0x0  }
0x90: {  	s19 =	sadd.s32 $0x80, s19;
	[tilespmem:v18+s31+$0x0] =	vst.idx.msk $0xffff, v17  }
0x91: {  	v17 =	vld [tilespmem:s19+$0xFFFFFFC0];
	v18 =	vor.u32 v0, v16;
	_ =	sdelay $0x4  }
0x92: {  	s17 =	sadd.s32 $0x80, s17;
	[tilespmem:v18+s31+$0x0] =	vst.idx.msk $0xffff, v17  }
0x93: {  	v18 =	vor.u32 v1, v16;
	v17 =	vld [tilespmem:s17+$0xFFFFFFC0];
	_ =	sdelay $0x4  }
0x94: {  	[tilespmem:v18+s31+$0x0] =	vst.idx.msk $0xffff, v17  }
0x95: {  	v18 =	vor.u32 v2, v16;
	v17 =	vld [tilespmem:s19+$0xFFFFFFD0];
	_ =	sdelay $0x4  }
0x96: {  	[tilespmem:v18+s31+$0x0] =	vst.idx.msk $0xffff, v17  }
0x97: {  	v18 =	vor.u32 v3, v16;
	v17 =	vld [tilespmem:s17+$0xFFFFFFD0];
	_ =	sdelay $0x4  }
0x98: {  	[tilespmem:v18+s31+$0x0] =	vst.idx.msk $0xffff, v17  }
0x99: {  	v18 =	vor.u32 v4, v16;
	v17 =	vld [tilespmem:s19+$0xFFFFFFE0];
	_ =	sdelay $0x4  }
0x9a: {  	[tilespmem:v18+s31+$0x0] =	vst.idx.msk $0xffff, v17  }
0x9b: {  	v18 =	vor.u32 v5, v16;
	v17 =	vld [tilespmem:s17+$0xFFFFFFE0];
	_ =	sdelay $0x4  }
0x9c: {  	[tilespmem:v18+s31+$0x0] =	vst.idx.msk $0xffff, v17  }
0x9d: {  	v18 =	vor.u32 v6, v16;
	v17 =	vld [tilespmem:s19+$0xFFFFFFF0];
	_ =	sdelay $0x4  }
0x9e: {  	[tilespmem:v18+s31+$0x0] =	vst.idx.msk $0xffff, v17  }
0x9f: {  	v18 =	vor.u32 v7, v16;
	v17 =	vld [tilespmem:s17+$0xFFFFFFF0];
	_ =	sdelay $0x4  }
0xa0: {  	[tilespmem:v18+s31+$0x0] =	vst.idx.msk $0xffff, v17  }
0xa1: {  	v18 =	vor.u32 v8, v16;
	v17 =	vld [tilespmem:s19+$0x0];
	_ =	sdelay $0x4  }
0xa2: {  	[tilespmem:v18+s31+$0x0] =	vst.idx.msk $0xffff, v17  }
0xa3: {  	v18 =	vor.u32 v9, v16;
	v17 =	vld [tilespmem:s17+$0x0];
	_ =	sdelay $0x4  }
0xa4: {  	[tilespmem:v18+s31+$0x0] =	vst.idx.msk $0xffff, v17  }
0xa5: {  	v18 =	vor.u32 v10, v16;
	v17 =	vld [tilespmem:s19+$0x10];
	_ =	sdelay $0x4  }
0xa6: {  	[tilespmem:v18+s31+$0x0] =	vst.idx.msk $0xffff, v17  }
0xa7: {  	v18 =	vor.u32 v11, v16;
	v17 =	vld [tilespmem:s17+$0x10];
	_ =	sdelay $0x4  }
0xa8: {  	[tilespmem:v18+s31+$0x0] =	vst.idx.msk $0xffff, v17  }
0xa9: {  	v18 =	vor.u32 v12, v16;
	v17 =	vld [tilespmem:s19+$0x20];
	_ =	sdelay $0x4  }
0xaa: {  	[tilespmem:v18+s31+$0x0] =	vst.idx.msk $0xffff, v17  }
0xab: {  	v18 =	vor.u32 v13, v16;
	v17 =	vld [tilespmem:s17+$0x20];
	_ =	sdelay $0x4  }
0xac: {  	[tilespmem:v18+s31+$0x0] =	vst.idx.msk $0xffff, v17  }
0xad: {  	v18 =	vor.u32 v14, v16;
	v17 =	vld [tilespmem:s19+$0x30];
	_ =	sdelay $0x3  }
.Ltmp6:
0xae: {  	(pc) =	sbr.rel @p1 .LBB2_6-.Ltmp6, $3  }
0xaf: {  	[tilespmem:v18+s31+$0x0] =	vst.idx.msk $0xffff, v17  }
0xb0: {  	v18 =	vor.u32 v15, v16;
	v17 =	vld [tilespmem:s17+$0x30];
	_ =	sdelay $0x1  }
0xb1: {  	v16 =	vmov s10;
	s10 =	sadd.s32 $0x1, s10  }
0xb2: {  	_ =	sdelay $0x1  }
0xb3: {  	v16 =	vand.u32 $0x7F, v16  }
0xb4: {  	v16 =	vbroadcast v16, $0x0  }
0xb5: {  	s10 =	sadd.s32 $0x80, s19;
	[tilespmem:v18+s31+$0x0] =	vst.idx.msk $0xffff, v17  }
0xb6: {  	v17 =	vld [tilespmem:s10+$0xFFFFFFC0];
	v49 =	vor.u32 v0, v16;
	_ =	sdelay $0x4  }
0xb7: {  	s17 =	sadd.s32 $0x80, s17;
	[tilespmem:v49+s31+$0x0] =	vst.idx.msk $0xffff, v17  }
0xb8: {  	v50 =	vor.u32 v1, v16;
	v17 =	vld [tilespmem:s17+$0xFFFFFFC0];
	_ =	sdelay $0x4  }
0xb9: {  	[tilespmem:v50+s31+$0x0] =	vst.idx.msk $0xffff, v17  }
0xba: {  	v51 =	vor.u32 v2, v16;
	v17 =	vld [tilespmem:s10+$0xFFFFFFD0];
	_ =	sdelay $0x4  }
0xbb: {  	[tilespmem:v51+s31+$0x0] =	vst.idx.msk $0xffff, v17  }
0xbc: {  	v52 =	vor.u32 v3, v16;
	v17 =	vld [tilespmem:s17+$0xFFFFFFD0];
	_ =	sdelay $0x4  }
0xbd: {  	[tilespmem:v52+s31+$0x0] =	vst.idx.msk $0xffff, v17  }
0xbe: {  	v53 =	vor.u32 v4, v16;
	v17 =	vld [tilespmem:s10+$0xFFFFFFE0];
	_ =	sdelay $0x4  }
0xbf: {  	[tilespmem:v53+s31+$0x0] =	vst.idx.msk $0xffff, v17  }
0xc0: {  	v54 =	vor.u32 v5, v16;
	v17 =	vld [tilespmem:s17+$0xFFFFFFE0];
	_ =	sdelay $0x4  }
0xc1: {  	[tilespmem:v54+s31+$0x0] =	vst.idx.msk $0xffff, v17  }
0xc2: {  	v55 =	vor.u32 v6, v16;
	v17 =	vld [tilespmem:s10+$0xFFFFFFF0];
	_ =	sdelay $0x4  }
0xc3: {  	[tilespmem:v55+s31+$0x0] =	vst.idx.msk $0xffff, v17  }
0xc4: {  	v56 =	vor.u32 v7, v16;
	v17 =	vld [tilespmem:s17+$0xFFFFFFF0];
	_ =	sdelay $0x4  }
0xc5: {  	[tilespmem:v56+s31+$0x0] =	vst.idx.msk $0xffff, v17  }
0xc6: {  	v57 =	vor.u32 v8, v16;
	v17 =	vld [tilespmem:s10+$0x0];
	_ =	sdelay $0x4  }
0xc7: {  	[tilespmem:v57+s31+$0x0] =	vst.idx.msk $0xffff, v17  }
0xc8: {  	v58 =	vor.u32 v9, v16;
	v17 =	vld [tilespmem:s17+$0x0];
	_ =	sdelay $0x4  }
0xc9: {  	[tilespmem:v58+s31+$0x0] =	vst.idx.msk $0xffff, v17  }
0xca: {  	v59 =	vor.u32 v10, v16;
	v17 =	vld [tilespmem:s10+$0x10];
	_ =	sdelay $0x4  }
0xcb: {  	[tilespmem:v59+s31+$0x0] =	vst.idx.msk $0xffff, v17  }
0xcc: {  	v60 =	vor.u32 v11, v16;
	v17 =	vld [tilespmem:s17+$0x10];
	_ =	sdelay $0x4  }
0xcd: {  	[tilespmem:v60+s31+$0x0] =	vst.idx.msk $0xffff, v17  }
0xce: {  	v61 =	vor.u32 v12, v16;
	v17 =	vld [tilespmem:s10+$0x20];
	_ =	sdelay $0x4  }
0xcf: {  	[tilespmem:v61+s31+$0x0] =	vst.idx.msk $0xffff, v17  }
0xd0: {  	v62 =	vor.u32 v13, v16;
	v17 =	vld [tilespmem:s17+$0x20];
	_ =	sdelay $0x4  }
0xd1: {  	[tilespmem:v62+s31+$0x0] =	vst.idx.msk $0xffff, v17  }
0xd2: {  	v63 =	vor.u32 v14, v16;
	v17 =	vld [tilespmem:s10+$0x30];
	_ =	sdelay $0x4  }
0xd3: {  	[tilespmem:v63+s31+$0x0] =	vst.idx.msk $0xffff, v17  }
0xd4: {  	v16 =	vor.u32 v15, v16;
	v17 =	vld [tilespmem:s17+$0x30];
	_ =	sdelay $0x4  }
0xd5: {  	s10 =	simm.s32 @!p0 $0x1;
	[tilespmem:v16+s31+$0x0] =	vst.idx.msk $0xffff, v17  }
0xd6: {  	_ =	swait.ge @!p0 [sflag:s10], $0x80  }
0xd7: {  	[sflag:s10] =	ssyncset.done @!p0 $0x0  }
0xd8: {  	[sflag:s10] =	ssyncadd.s32 @!p0 $0xFFFFFF80  }
0xd9: {  	_ =	swait.ge @!p0 [sflag:s10], $0x80  }
0xda: {  	[sflag:s10] =	ssyncset.done @!p0 $0x0  }
0xdb: {  	s17 =	simm.s32 @!p0 $0x200;
	[sflag:s10] =	ssyncadd.s32 @!p0 $0xFFFFFF80;
	s10 =	simm.s32 @!p0 $0x80  }
0xdc: {  	[tilespmem:s17], [sflag:$0x2] =	stream.indirect.gather @!p0 [hbm4b:s2+s10], $0x80, s10, s10, $0xb8;
	[tilespmem:$0x1D280] =	vst v63  }
0xdd: {  	s19 =	simm.s32 @!p0 $0x4200;
	s17 =	simm.s32 @!p0 $0x180  }
0xde: {  	[tilespmem:s19], [sflag:$0x2] =	stream.indirect.gather @!p0 [hbm4b:s2+s10], $0x80, s17, s10, $0xb8;
	[tilespmem:$0x1D280] =	vst v63  }
0xdf: {  	p0 =	seq.s32 s21, $0x0;
	_ =	swait.ge [sflag:s1], $0x800  }
.Ltmp7:
0xe0: {  	[sflag:s1] =	ssyncset.done $0x0;
	(pc) =	sbr.rel @p0 .LBB2_11-.Ltmp7, $4  }
0xe1: {  	s8 =	sadd.s32 s6, s8;
	[sflag:s1] =	ssyncadd.s32 $0xFFFFF800  }
0xe2: {  	[hbm4b:s8+s22] =	stream.strided.scatter [tilespmem:s31], [sflag:$0x5], $0x8800, s23, s22, $0x38;
	[tilespmem:$0x1D280] =	vst v63  }
0xe3: {  	s8 =	sadd.s32 $0xA60400, s8  }
0xe4: {  	[hbm4b:s8+s22] =	stream.strided.scatter [tilespmem:s28], [sflag:$0x5], $0x4000, s23, s22, $0x38;
	[tilespmem:$0x1D280] =	vst v63  }
.LBB2_8:
0xe5: {  	p1 =	slt.u32 s3, $0x2  }
0xe6: {  	s8 =	simm.s32 @!p1 $0x6  }
0xe7: {  	s20 =	sadd.s32 $0x1, s3;
	_ =	swait.ge @!p1 [sflag:s8], $0x8800  }
0xe8: {  	p0 =	sge.u32 s20, s9;
	[sflag:s8] =	ssyncset.done @!p1 $0x0  }
0xe9: {  	s10 =	sshll.u32 @!p0 s20, $0xC;
	[sflag:s8] =	ssyncadd.s32 @!p1 $0xFFFF7800  }
0xea: {  	s10 =	sor.u32 @!p0 s12, s10;
	_ =	swait.ge @!p1 [sflag:s8], $0x4000  }
0xeb: {  	s10 =	sshrl.u32 @!p0 s10, $0x3;
	[sflag:s8] =	ssyncset.done @!p1 $0x0  }
0xec: {  	s17 =	simm.s32 @!p0 $0x0;
	[sflag:s8] =	ssyncadd.s32 @!p1 $0xFFFFC000;
	s8 =	sadd.s32 @!p0 s4, s10  }
0xed: {  	[tilespmem:s17], [sflag:$0x1] =	stream.linear.gather @!p0 [hbm4b:s8+s17], $0x80, $0x38;
	[tilespmem:$0x1D280] =	vst v63  }
0xee: {  	s8 =	sadd.s32 @!p0 s5, s10;
	s10 =	simm.s32 @!p0 $0x100  }
0xef: {  	[tilespmem:s10], [sflag:$0x1] =	stream.linear.gather @!p0 [hbm4b:s8+s17], $0x80, $0x38;
	[tilespmem:$0x1D280] =	vst v63  }
0xf0: {  	s10 =	sshll.u32 s3, $0xF  }
0xf1: {  	s3 =	sor.u32 s13, s10  }
0xf2: {  	s3 =	sshrl.u32 s3, $0x3  }
0xf3: {  	s17 =	sadd.s32 s0, s3  }
0xf4: {  	[tilespmem:s24], [sflag:$0x4] =	stream.strided.gather [hbm4b:s17+s22], $0x800, s23, s22, $0x38;
	[tilespmem:$0x1D280] =	vst v63  }
0xf5: {  	_ =	swait.ge [sflag:s25], $0x4000  }
0xf6: {  	s19 =	simm.s32 $0x0;
	[sflag:s25] =	ssyncset.done $0x0  }
0xf7: {  	v16 =	vmov s19;
	[sflag:s25] =	ssyncadd.s32 $0xFFFFC000  }
0xf8: {  	v16 =	vand.u32 $0x7F, v16;
	_ =	swait.ge [sflag:s25], $0x4000  }
0xf9: {  	v16 =	vbroadcast v16, $0x0;
	[sflag:s25] =	ssyncset.done $0x0  }
0xfa: {  	s17 =	simm.s32 $0x240;
	[sflag:s25] =	ssyncadd.s32 $0xFFFFC000  }
0xfb: {  	v18 =	vor.u32 v0, v16;
	v17 =	vld [tilespmem:s17+$0xFFFFFFC0];
	_ =	sdelay $0x4  }
0xfc: {  	s8 =	simm.s32 $0x4240;
	[tilespmem:v18+s24+$0x0] =	vst.idx.msk $0xffff, v17  }
0xfd: {  	v18 =	vor.u32 v1, v16;
	v17 =	vld [tilespmem:s8+$0xFFFFFFC0];
	_ =	sdelay $0x4  }
0xfe: {  	[tilespmem:v18+s24+$0x0] =	vst.idx.msk $0xffff, v17  }
0xff: {  	v18 =	vor.u32 v2, v16;
	v17 =	vld [tilespmem:s17+$0xFFFFFFD0];
	_ =	sdelay $0x4  }
0x100: {  	[tilespmem:v18+s24+$0x0] =	vst.idx.msk $0xffff, v17  }
0x101: {  	v18 =	vor.u32 v3, v16;
	v17 =	vld [tilespmem:s8+$0xFFFFFFD0];
	_ =	sdelay $0x4  }
0x102: {  	[tilespmem:v18+s24+$0x0] =	vst.idx.msk $0xffff, v17  }
0x103: {  	v18 =	vor.u32 v4, v16;
	v17 =	vld [tilespmem:s17+$0xFFFFFFE0];
	_ =	sdelay $0x4  }
0x104: {  	[tilespmem:v18+s24+$0x0] =	vst.idx.msk $0xffff, v17  }
0x105: {  	v18 =	vor.u32 v5, v16;
	v17 =	vld [tilespmem:s8+$0xFFFFFFE0];
	_ =	sdelay $0x4  }
0x106: {  	[tilespmem:v18+s24+$0x0] =	vst.idx.msk $0xffff, v17  }
0x107: {  	v18 =	vor.u32 v6, v16;
	v17 =	vld [tilespmem:s17+$0xFFFFFFF0];
	_ =	sdelay $0x4  }
0x108: {  	[tilespmem:v18+s24+$0x0] =	vst.idx.msk $0xffff, v17  }
0x109: {  	v18 =	vor.u32 v7, v16;
	v17 =	vld [tilespmem:s8+$0xFFFFFFF0];
	_ =	sdelay $0x4  }
0x10a: {  	[tilespmem:v18+s24+$0x0] =	vst.idx.msk $0xffff, v17  }
0x10b: {  	v18 =	vor.u32 v8, v16;
	v17 =	vld [tilespmem:s17+$0x0];
	_ =	sdelay $0x4  }
0x10c: {  	[tilespmem:v18+s24+$0x0] =	vst.idx.msk $0xffff, v17  }
0x10d: {  	v18 =	vor.u32 v9, v16;
	v17 =	vld [tilespmem:s8+$0x0];
	_ =	sdelay $0x4  }
0x10e: {  	[tilespmem:v18+s24+$0x0] =	vst.idx.msk $0xffff, v17  }
0x10f: {  	v18 =	vor.u32 v10, v16;
	v17 =	vld [tilespmem:s17+$0x10];
	_ =	sdelay $0x4  }
0x110: {  	[tilespmem:v18+s24+$0x0] =	vst.idx.msk $0xffff, v17  }
0x111: {  	v18 =	vor.u32 v11, v16;
	v17 =	vld [tilespmem:s8+$0x10];
	_ =	sdelay $0x4  }
0x112: {  	[tilespmem:v18+s24+$0x0] =	vst.idx.msk $0xffff, v17  }
0x113: {  	v18 =	vor.u32 v12, v16;
	v17 =	vld [tilespmem:s17+$0x20];
	_ =	sdelay $0x4  }
0x114: {  	[tilespmem:v18+s24+$0x0] =	vst.idx.msk $0xffff, v17  }
0x115: {  	v18 =	vor.u32 v13, v16;
	v17 =	vld [tilespmem:s8+$0x20];
	_ =	sdelay $0x4  }
0x116: {  	[tilespmem:v18+s24+$0x0] =	vst.idx.msk $0xffff, v17  }
0x117: {  	v18 =	vor.u32 v14, v16;
	v17 =	vld [tilespmem:s17+$0x30];
	_ =	sdelay $0x4  }
0x118: {  	[tilespmem:v18+s24+$0x0] =	vst.idx.msk $0xffff, v17  }
0x119: {  	v18 =	vor.u32 v15, v16;
	v17 =	vld [tilespmem:s8+$0x30]  }
0x11a: {  	s21 =	simm.s32 $0x1  }
0x11b: {  	s10 =	simm.s32 $0x2;
	v16 =	vmov s21  }
.LBB2_9:
0x11c: {  	p1 =	sne.s32 s10, $0x7F;
	v16 =	vand.u32 $0x7F, v16  }
0x11d: {  	v16 =	vbroadcast v16, $0x0  }
0x11e: {  	s17 =	sadd.s32 $0x80, s17;
	[tilespmem:v18+s24+$0x0] =	vst.idx.msk $0xffff, v17  }
0x11f: {  	v17 =	vld [tilespmem:s17+$0xFFFFFFC0];
	v18 =	vor.u32 v0, v16;
	_ =	sdelay $0x4  }
0x120: {  	s8 =	sadd.s32 $0x80, s8;
	[tilespmem:v18+s24+$0x0] =	vst.idx.msk $0xffff, v17  }
0x121: {  	v18 =	vor.u32 v1, v16;
	v17 =	vld [tilespmem:s8+$0xFFFFFFC0];
	_ =	sdelay $0x4  }
0x122: {  	[tilespmem:v18+s24+$0x0] =	vst.idx.msk $0xffff, v17  }
0x123: {  	v18 =	vor.u32 v2, v16;
	v17 =	vld [tilespmem:s17+$0xFFFFFFD0];
	_ =	sdelay $0x4  }
0x124: {  	[tilespmem:v18+s24+$0x0] =	vst.idx.msk $0xffff, v17  }
0x125: {  	v18 =	vor.u32 v3, v16;
	v17 =	vld [tilespmem:s8+$0xFFFFFFD0];
	_ =	sdelay $0x4  }
0x126: {  	[tilespmem:v18+s24+$0x0] =	vst.idx.msk $0xffff, v17  }
0x127: {  	v18 =	vor.u32 v4, v16;
	v17 =	vld [tilespmem:s17+$0xFFFFFFE0];
	_ =	sdelay $0x4  }
0x128: {  	[tilespmem:v18+s24+$0x0] =	vst.idx.msk $0xffff, v17  }
0x129: {  	v18 =	vor.u32 v5, v16;
	v17 =	vld [tilespmem:s8+$0xFFFFFFE0];
	_ =	sdelay $0x4  }
0x12a: {  	[tilespmem:v18+s24+$0x0] =	vst.idx.msk $0xffff, v17  }
0x12b: {  	v18 =	vor.u32 v6, v16;
	v17 =	vld [tilespmem:s17+$0xFFFFFFF0];
	_ =	sdelay $0x4  }
0x12c: {  	[tilespmem:v18+s24+$0x0] =	vst.idx.msk $0xffff, v17  }
0x12d: {  	v18 =	vor.u32 v7, v16;
	v17 =	vld [tilespmem:s8+$0xFFFFFFF0];
	_ =	sdelay $0x4  }
0x12e: {  	[tilespmem:v18+s24+$0x0] =	vst.idx.msk $0xffff, v17  }
0x12f: {  	v18 =	vor.u32 v8, v16;
	v17 =	vld [tilespmem:s17+$0x0];
	_ =	sdelay $0x4  }
0x130: {  	[tilespmem:v18+s24+$0x0] =	vst.idx.msk $0xffff, v17  }
0x131: {  	v18 =	vor.u32 v9, v16;
	v17 =	vld [tilespmem:s8+$0x0];
	_ =	sdelay $0x4  }
0x132: {  	[tilespmem:v18+s24+$0x0] =	vst.idx.msk $0xffff, v17  }
0x133: {  	v18 =	vor.u32 v10, v16;
	v17 =	vld [tilespmem:s17+$0x10];
	_ =	sdelay $0x4  }
0x134: {  	[tilespmem:v18+s24+$0x0] =	vst.idx.msk $0xffff, v17  }
0x135: {  	v18 =	vor.u32 v11, v16;
	v17 =	vld [tilespmem:s8+$0x10];
	_ =	sdelay $0x4  }
0x136: {  	[tilespmem:v18+s24+$0x0] =	vst.idx.msk $0xffff, v17  }
0x137: {  	v18 =	vor.u32 v12, v16;
	v17 =	vld [tilespmem:s17+$0x20];
	_ =	sdelay $0x4  }
0x138: {  	[tilespmem:v18+s24+$0x0] =	vst.idx.msk $0xffff, v17  }
0x139: {  	v18 =	vor.u32 v13, v16;
	v17 =	vld [tilespmem:s8+$0x20];
	_ =	sdelay $0x4  }
0x13a: {  	[tilespmem:v18+s24+$0x0] =	vst.idx.msk $0xffff, v17  }
0x13b: {  	v18 =	vor.u32 v14, v16;
	v17 =	vld [tilespmem:s17+$0x30];
	_ =	sdelay $0x3  }
.Ltmp8:
0x13c: {  	(pc) =	sbr.rel @p1 .LBB2_9-.Ltmp8, $3  }
0x13d: {  	[tilespmem:v18+s24+$0x0] =	vst.idx.msk $0xffff, v17  }
0x13e: {  	v18 =	vor.u32 v15, v16;
	v17 =	vld [tilespmem:s8+$0x30];
	_ =	sdelay $0x1  }
0x13f: {  	v16 =	vmov s10;
	s10 =	sadd.s32 $0x1, s10  }
0x140: {  	_ =	sdelay $0x1  }
0x141: {  	v16 =	vand.u32 $0x7F, v16  }
0x142: {  	v16 =	vbroadcast v16, $0x0  }
0x143: {  	s10 =	sadd.s32 $0x80, s17;
	[tilespmem:v18+s24+$0x0] =	vst.idx.msk $0xffff, v17  }
0x144: {  	v17 =	vld [tilespmem:s10+$0xFFFFFFC0];
	v49 =	vor.u32 v0, v16;
	_ =	sdelay $0x4  }
0x145: {  	s8 =	sadd.s32 $0x80, s8;
	[tilespmem:v49+s24+$0x0] =	vst.idx.msk $0xffff, v17  }
0x146: {  	v50 =	vor.u32 v1, v16;
	v17 =	vld [tilespmem:s8+$0xFFFFFFC0];
	_ =	sdelay $0x4  }
0x147: {  	[tilespmem:v50+s24+$0x0] =	vst.idx.msk $0xffff, v17  }
0x148: {  	v51 =	vor.u32 v2, v16;
	v17 =	vld [tilespmem:s10+$0xFFFFFFD0];
	_ =	sdelay $0x4  }
0x149: {  	[tilespmem:v51+s24+$0x0] =	vst.idx.msk $0xffff, v17  }
0x14a: {  	v52 =	vor.u32 v3, v16;
	v17 =	vld [tilespmem:s8+$0xFFFFFFD0];
	_ =	sdelay $0x4  }
0x14b: {  	[tilespmem:v52+s24+$0x0] =	vst.idx.msk $0xffff, v17  }
0x14c: {  	v53 =	vor.u32 v4, v16;
	v17 =	vld [tilespmem:s10+$0xFFFFFFE0];
	_ =	sdelay $0x4  }
0x14d: {  	[tilespmem:v53+s24+$0x0] =	vst.idx.msk $0xffff, v17  }
0x14e: {  	v54 =	vor.u32 v5, v16;
	v17 =	vld [tilespmem:s8+$0xFFFFFFE0];
	_ =	sdelay $0x4  }
0x14f: {  	[tilespmem:v54+s24+$0x0] =	vst.idx.msk $0xffff, v17  }
0x150: {  	v55 =	vor.u32 v6, v16;
	v17 =	vld [tilespmem:s10+$0xFFFFFFF0];
	_ =	sdelay $0x4  }
0x151: {  	[tilespmem:v55+s24+$0x0] =	vst.idx.msk $0xffff, v17  }
0x152: {  	v56 =	vor.u32 v7, v16;
	v17 =	vld [tilespmem:s8+$0xFFFFFFF0];
	_ =	sdelay $0x4  }
0x153: {  	[tilespmem:v56+s24+$0x0] =	vst.idx.msk $0xffff, v17  }
0x154: {  	v57 =	vor.u32 v8, v16;
	v17 =	vld [tilespmem:s10+$0x0];
	_ =	sdelay $0x4  }
0x155: {  	[tilespmem:v57+s24+$0x0] =	vst.idx.msk $0xffff, v17  }
0x156: {  	v58 =	vor.u32 v9, v16;
	v17 =	vld [tilespmem:s8+$0x0];
	_ =	sdelay $0x4  }
0x157: {  	[tilespmem:v58+s24+$0x0] =	vst.idx.msk $0xffff, v17  }
0x158: {  	v59 =	vor.u32 v10, v16;
	v17 =	vld [tilespmem:s10+$0x10];
	_ =	sdelay $0x4  }
0x159: {  	[tilespmem:v59+s24+$0x0] =	vst.idx.msk $0xffff, v17  }
0x15a: {  	v60 =	vor.u32 v11, v16;
	v17 =	vld [tilespmem:s8+$0x10];
	_ =	sdelay $0x4  }
0x15b: {  	[tilespmem:v60+s24+$0x0] =	vst.idx.msk $0xffff, v17  }
0x15c: {  	v61 =	vor.u32 v12, v16;
	v17 =	vld [tilespmem:s10+$0x20];
	_ =	sdelay $0x4  }
0x15d: {  	[tilespmem:v61+s24+$0x0] =	vst.idx.msk $0xffff, v17  }
0x15e: {  	v62 =	vor.u32 v13, v16;
	v17 =	vld [tilespmem:s8+$0x20];
	_ =	sdelay $0x4  }
0x15f: {  	[tilespmem:v62+s24+$0x0] =	vst.idx.msk $0xffff, v17  }
0x160: {  	v63 =	vor.u32 v14, v16;
	v17 =	vld [tilespmem:s10+$0x30];
	_ =	sdelay $0x4  }
0x161: {  	[tilespmem:v63+s24+$0x0] =	vst.idx.msk $0xffff, v17  }
0x162: {  	v16 =	vor.u32 v15, v16;
	v17 =	vld [tilespmem:s8+$0x30];
	_ =	sdelay $0x4  }
0x163: {  	s8 =	simm.s32 @!p0 $0x1;
	[tilespmem:v16+s24+$0x0] =	vst.idx.msk $0xffff, v17  }
0x164: {  	_ =	swait.ge @!p0 [sflag:s8], $0x80  }
0x165: {  	[sflag:s8] =	ssyncset.done @!p0 $0x0  }
0x166: {  	[sflag:s8] =	ssyncadd.s32 @!p0 $0xFFFFFF80  }
0x167: {  	_ =	swait.ge @!p0 [sflag:s8], $0x80  }
0x168: {  	s17 =	simm.s32 @!p0 $0x200;
	[sflag:s8] =	ssyncset.done @!p0 $0x0  }
0x169: {  	s10 =	simm.s32 @!p0 $0x0;
	[sflag:s8] =	ssyncadd.s32 @!p0 $0xFFFFFF80;
	s8 =	simm.s32 @!p0 $0x80  }
0x16a: {  	[tilespmem:s17], [sflag:$0x2] =	stream.indirect.gather @!p0 [hbm4b:s2+s8], $0x80, s10, s8, $0xb8;
	[tilespmem:$0x1D280] =	vst v63  }
0x16b: {  	s10 =	simm.s32 @!p0 $0x100;
	s17 =	simm.s32 @!p0 $0x4200  }
0x16c: {  	[tilespmem:s17], [sflag:$0x2] =	stream.indirect.gather @!p0 [hbm4b:s2+s8], $0x80, s10, s8, $0xb8;
	[tilespmem:$0x1D280] =	vst v63  }
0x16d: {  	_ =	swait.ge [sflag:s26], $0x800  }
.Ltmp9:
0x16e: {  	[sflag:s26] =	ssyncset.done $0x0;
	(pc) =	sbr.rel .LBB2_11-.Ltmp9, $4  }
0x16f: {  	s3 =	sadd.s32 s6, s3;
	[sflag:s26] =	ssyncadd.s32 $0xFFFFF800  }
0x170: {  	[hbm4b:s3+s22] =	stream.strided.scatter [tilespmem:s24], [sflag:$0x6], $0x8800, s23, s22, $0x38;
	[tilespmem:$0x1D280] =	vst v63  }
0x171: {  	s3 =	sadd.s32 $0xA60400, s3  }
0x172: {  	[hbm4b:s3+s22] =	stream.strided.scatter [tilespmem:s28], [sflag:$0x6], $0x4000, s23, s22, $0x38;
	[tilespmem:$0x1D280] =	vst v63  }
.LBB2_13:
0x173: {  	_ =	sfence.sel $0x180000  }
0x174: {  	[bflag:$0x0] =	sbarrier.arrive $0xFFFF  }
0x175: {  	_ =	strace $0x90000047  }
0x176: {  	s0 =	stileid.u32;
	[bflag:$0x2] =	sbarrier.arrive $0xFFFF  }
0x177: {  	p0 =	sne.s32 s0, $0x0;
	s0 =	rddreg [dreg:$0x6]  }
0x178: {  	s0 =	sadd.s32 @!p0 $0x100000, s0  }
0x179: {  	[sflag:s0] =	ssyncadd.tile.s32 @!p0 $0x1;
	_ =	shalt  }
.Lfunc_end2:
_tile_overlayer_lowered:
.L_overlay_start_2:
0x17a: {  	(tag) =	ssettag $0x2  }
0x17b: {  	s0 =	rddreg [dreg:$0x0];
	s2 =	stileid.u32  }
0x17c: {  	s1 =	rddreg [dreg:$0x1];
	p0 =	sne.s32 s2, $0x0  }
0x17d: {  	s3 =	rddreg [dreg:$0x2];
	[bflag:$0x3] =	sbarrier.arrive $0xFFFF;
	s2 =	simm.s32 @!p0 $0x1C07  }
0x17e: {  	[timem:s3], [sflag:s2] =	dma.local @!p0 [hbm:s0], s1  }
0x17f: {  	s0 =	simm.s32 @!p0 $0x7  }
0x180: {  	_ =	swait.ge @!p0 [sflag:s0], s1  }
0x181: {  	s1 =	ssub.s32 @!p0 $0x0, s1;
	[sflag:s0] =	ssyncset.done @!p0 $0x0  }
0x182: {  	[sflag:s0] =	ssyncadd.s32 @!p0 s1  }
0x183: {  	[bflag:$0x3] =	sbarrier.arrive $0xFFFF  }
0x184: {  	_ =	shalt  }

</sc_bundles>
